<compile_context>
chip_gen: v7x
topology: tpu7x:2x2x1
jax: 0.10.2.dev20260603
libtpu: 0.0.44.dev20260713+nightly
codegen_flags: <defaults>
</compile_context>

<pallas_src>
import functools

import jax
import jax.numpy as jnp
from jax import lax
from jax.experimental import pallas as pl
from jax.experimental.pallas import tpu as pltpu
from jax.experimental.pallas import tpu_sc as plsc

_EPS = 1e-5
_SC_CORES = 2
_SC_SUBCORES = 16
_NW = _SC_CORES * _SC_SUBCORES
_CH = 400
_RSEG = 400
_NSUB = 5
_RMM = 10000


def _sc_gather(table, idx):
    n_rows = idx.shape[0]
    d = table.shape[1]
    n_chunks = n_rows // _CH
    nloop2 = -(-n_chunks // (2 * _NW))
    mesh = plsc.VectorSubcoreMesh(core_axis_name="c", subcore_axis_name="s")

    @functools.partial(
        pl.kernel,
        out_type=jax.ShapeDtypeStruct((n_rows, d), jnp.float32),
        mesh=mesh,
        scratch_types=[
            pltpu.VMEM((_CH,), jnp.int32),
            pltpu.VMEM((_CH,), jnp.int32),
            pltpu.VMEM((_CH, d), jnp.float32),
            pltpu.VMEM((_CH, d), jnp.float32),
            pltpu.SemaphoreType.DMA,
            pltpu.SemaphoreType.DMA,
        ],
    )
    def gk(table_hbm, idx_hbm, out_hbm, idx_v0, idx_v1, rows_v0, rows_v1,
           sem0, sem1):
        wid = lax.axis_index("s") * _SC_CORES + lax.axis_index("c")
        bufs = ((idx_v0, rows_v0, sem0), (idx_v1, rows_v1, sem1))

        def body(i, carry):
            for b, (idx_v, rows_v, sem) in enumerate(bufs):
                c = wid + (2 * i + b) * _NW

                @pl.when(c < n_chunks)
                def _(idx_v=idx_v, rows_v=rows_v, sem=sem, c=c):
                    pltpu.sync_copy(idx_hbm.at[pl.ds(c * _CH, _CH)], idx_v)
                    pltpu.async_copy(table_hbm.at[idx_v], rows_v, sem)

            for b, (idx_v, rows_v, sem) in enumerate(bufs):
                c = wid + (2 * i + b) * _NW

                @pl.when(c < n_chunks)
                def _(idx_v=idx_v, rows_v=rows_v, sem=sem, c=c):
                    pltpu.make_async_copy(table_hbm.at[idx_v], rows_v,
                                          sem).wait()
                    pltpu.sync_copy(rows_v, out_hbm.at[pl.ds(c * _CH, _CH)])

            return carry

        lax.fori_loop(0, nloop2, body, 0)

    return gk(table, idx)


def _fwd_carry(e2c, ids_row, TS, R, d):
    NS = _NSUB

    def body(e2c_ref, ids_ref, c_ref, prevl_ref, open_ref):
        t = pl.program_id(0)
        ids = ids_ref[0]
        for k in range(NS):
            idk = ids[k:k + 1, :]
            x = e2c_ref[k * R:(k + 1) * R, :].astype(jnp.bfloat16)
            f = ids[k, 0]
            l = ids[k, R - 1]
            maskl = (idk == l).astype(jnp.bfloat16)
            tail = jnp.dot(maskl, x, preferred_element_type=jnp.float32)
            match = jnp.logical_and(jnp.logical_or(t > 0, k > 0),
                                    prevl_ref[0] == f)
            incoming = jnp.where(match, open_ref[...], 0.0)
            c_ref[0, k:k + 1] = incoming
            open_ref[...] = tail + jnp.where(f == l, incoming, 0.0)
            prevl_ref[0] = l

    return pl.pallas_call(
        body,
        grid=(TS,),
        in_specs=[
            pl.BlockSpec((NS * R, d), lambda t: (t, 0)),
            pl.BlockSpec((1, NS, R), lambda t: (t, 0, 0)),
        ],
        out_specs=pl.BlockSpec((1, NS, d), lambda t: (t, 0, 0)),
        out_shape=jax.ShapeDtypeStruct((TS, NS, d), jnp.float32),
        scratch_shapes=[
            pltpu.SMEM((1,), jnp.int32),
            pltpu.VMEM((1, d), jnp.float32),
        ],
    )(e2c, ids_row)


def _x1_stage(cycle_rep, e2c, ids_row, carr, w1, b1, TS, R, d, hdim):
    NS = _NSUB
    crtot = TS * NS * R

    def body(cyc_ref, e2c_ref, ids_ref, c_ref, w_ref, b_ref,
             x1_ref, st_ref, pf_ref, openb_ref, s1_ref, s2_ref):
        s = pl.program_id(0)
        ids = ids_ref[0]
        ps1 = jnp.zeros((1, hdim), jnp.float32)
        ps2 = jnp.zeros((1, hdim), jnp.float32)
        for k in range(NS - 1, -1, -1):
            idk = ids[k:k + 1, :]
            x = e2c_ref[k * R:(k + 1) * R, :]
            xb = x.astype(jnp.bfloat16)
            f = ids[k, 0]
            l = ids[k, R - 1]
            idsf = idk.astype(jnp.float32)
            a = jnp.broadcast_to(idsf, (R, R))
            m = (a == a.T).astype(jnp.bfloat16)
            local = jnp.dot(m, xb, preferred_element_type=jnp.float32)
            head = jnp.dot(m[0:1, :], xb, preferred_element_type=jnp.float32)
            later = jnp.logical_or(s > 0, k < NS - 1)
            dv = jnp.where(jnp.logical_and(later, pf_ref[0] == l),
                           openb_ref[...], 0.0)
            cv = c_ref[0, k:k + 1]
            mf = m[:, 0:1].astype(jnp.float32)
            ml = m[:, R - 1:R].astype(jnp.float32)
            bcast = local + mf * cv + ml * dv
            hcat = jnp.concatenate(
                [cyc_ref[k * R:(k + 1) * R, :], x, bcast], axis=1)
            x1 = jnp.dot(hcat.astype(jnp.bfloat16), w_ref[...],
                         preferred_element_type=jnp.float32) + b_ref[...]
            x1_ref[k * R:(k + 1) * R, :] = x1.astype(jnp.bfloat16)
            ps1 = ps1 + jnp.sum(x1, axis=0, keepdims=True)
            ps2 = ps2 + jnp.sum(x1 * x1, axis=0, keepdims=True)
            openb_ref[...] = head + jnp.where(f == l, dv, 0.0)
            pf_ref[0] = f

        @pl.when(s == 0)
        def _():
            s1_ref[...] = ps1
            s2_ref[...] = ps2

        @pl.when(s > 0)
        def _():
            s1_ref[...] += ps1
            s2_ref[...] += ps2

        @pl.when(s == TS - 1)
        def _():
            st_ref[...] = jnp.concatenate(
                [s1_ref[...], s2_ref[...],
                 jnp.zeros((6, hdim), jnp.float32)], axis=0)

    rev = lambda s: (TS - 1 - s, 0)
    rev3 = lambda s: (TS - 1 - s, 0, 0)
    return pl.pallas_call(
        body,
        grid=(TS,),
        in_specs=[
            pl.BlockSpec((NS * R, d), rev),
            pl.BlockSpec((NS * R, d), rev),
            pl.BlockSpec((1, NS, R), rev3),
            pl.BlockSpec((1, NS, d), rev3),
            pl.BlockSpec((3 * d, hdim), lambda s: (0, 0)),
            pl.BlockSpec((1, hdim), lambda s: (0, 0)),
        ],
        out_specs=[
            pl.BlockSpec((NS * R, hdim), rev),
            pl.BlockSpec((8, hdim), lambda s: (0, 0)),
        ],
        out_shape=[
            jax.ShapeDtypeStruct((crtot, hdim), jnp.bfloat16),
            jax.ShapeDtypeStruct((8, hdim), jnp.float32),
        ],
        scratch_shapes=[
            pltpu.SMEM((1,), jnp.int32),
            pltpu.VMEM((1, d), jnp.float32),
            pltpu.VMEM((1, hdim), jnp.float32),
            pltpu.VMEM((1, hdim), jnp.float32),
        ],
    )(cycle_rep, e2c, ids_row, carr, w1, b1)


def _cat_mm(a, bgat, w, bias):
    n, d = a.shape
    dout = w.shape[1]
    T = n // _RMM

    def body(a_ref, bg_ref, w_ref, bias_ref, out_ref, stout_ref,
             s1_ref, s2_ref):
        s = pl.program_id(0)
        hcat = jnp.concatenate([a_ref[...], bg_ref[...]], axis=1)
        o = jnp.dot(hcat.astype(jnp.bfloat16), w_ref[...],
                    preferred_element_type=jnp.float32) + bias_ref[...]
        out_ref[...] = o.astype(jnp.bfloat16)
        ps1 = jnp.sum(o, axis=0, keepdims=True)
        ps2 = jnp.sum(o * o, axis=0, keepdims=True)

        @pl.when(s == 0)
        def _():
            s1_ref[...] = ps1
            s2_ref[...] = ps2

        @pl.when(s > 0)
        def _():
            s1_ref[...] += ps1
            s2_ref[...] += ps2

        @pl.when(s == T - 1)
        def _():
            stout_ref[...] = jnp.concatenate(
                [s1_ref[...], s2_ref[...],
                 jnp.zeros((6, dout), jnp.float32)], axis=0)

    return pl.pallas_call(
        body,
        grid=(T,),
        in_specs=[
            pl.BlockSpec((_RMM, d), lambda s: (s, 0)),
            pl.BlockSpec((_RMM, d), lambda s: (s, 0)),
            pl.BlockSpec((2 * d, dout), lambda s: (0, 0)),
            pl.BlockSpec((1, dout), lambda s: (0, 0)),
        ],
        out_specs=[
            pl.BlockSpec((_RMM, dout), lambda s: (s, 0)),
            pl.BlockSpec((8, dout), lambda s: (0, 0)),
        ],
        out_shape=[
            jax.ShapeDtypeStruct((n, dout), jnp.bfloat16),
            jax.ShapeDtypeStruct((8, dout), jnp.float32),
        ],
        scratch_shapes=[pltpu.VMEM((1, dout), jnp.float32),
                        pltpu.VMEM((1, dout), jnp.float32)],
    )(a, bgat, w, bias)


def _bn_mm(x, stats, g, b, w, bias, denom, want_stats, out_bf16=False):
    n, din = x.shape
    dout = w.shape[1]
    T = n // _RMM
    inv = 1.0 / denom
    out_dt = jnp.bfloat16 if out_bf16 else jnp.float32

    def body(x_ref, st_ref, g_ref, b_ref, w_ref, bias_ref, out_ref, *rest):
        s = pl.program_id(0)
        mu = st_ref[0:1, :] * inv
        ex2 = st_ref[1:2, :] * inv
        rstd = lax.rsqrt(jnp.maximum(ex2 - mu * mu, 0.0) + _EPS)
        sc = rstd * g_ref[...]
        sh = b_ref[...] - mu * sc
        xv = x_ref[...].astype(jnp.float32)
        y = jnp.maximum(xv * sc + sh, 0.0)
        o = jnp.dot(y.astype(jnp.bfloat16), w_ref[...],
                    preferred_element_type=jnp.float32) + bias_ref[...]
        out_ref[...] = o.astype(out_dt)
        if want_stats:
            stout_ref, s1_ref, s2_ref = rest
            ps1 = jnp.sum(o, axis=0, keepdims=True)
            ps2 = jnp.sum(o * o, axis=0, keepdims=True)

            @pl.when(s == 0)
            def _():
                s1_ref[...] = ps1
                s2_ref[...] = ps2

            @pl.when(s > 0)
            def _():
                s1_ref[...] += ps1
                s2_ref[...] += ps2

            @pl.when(s == T - 1)
            def _():
                stout_ref[...] = jnp.concatenate(
                    [s1_ref[...], s2_ref[...],
                     jnp.zeros((6, dout), jnp.float32)], axis=0)

    out_shape = [jax.ShapeDtypeStruct((n, dout), out_dt)]
    out_specs = [pl.BlockSpec((_RMM, dout), lambda s: (s, 0))]
    scratch = []
    if want_stats:
        out_shape.append(jax.ShapeDtypeStruct((8, dout), jnp.float32))
        out_specs.append(pl.BlockSpec((8, dout), lambda s: (0, 0)))
        scratch = [pltpu.VMEM((1, dout), jnp.float32),
                   pltpu.VMEM((1, dout), jnp.float32)]
    res = pl.pallas_call(
        body,
        grid=(T,),
        in_specs=[
            pl.BlockSpec((_RMM, din), lambda s: (s, 0)),
            pl.BlockSpec((8, din), lambda s: (0, 0)),
            pl.BlockSpec((1, din), lambda s: (0, 0)),
            pl.BlockSpec((1, din), lambda s: (0, 0)),
            pl.BlockSpec((din, dout), lambda s: (0, 0)),
            pl.BlockSpec((1, dout), lambda s: (0, 0)),
        ],
        out_specs=out_specs,
        out_shape=out_shape,
        scratch_shapes=scratch,
    )(x, stats, g, b, w, bias)
    return res if want_stats else res[0]


def _cat_mm(a, bgat, w, bias):
    n, d = a.shape
    dout = w.shape[1]
    T = n // _RMM

    def body(a_ref, bg_ref, w_ref, bias_ref, out_ref, stout_ref,
             s1_ref, s2_ref):
        s = pl.program_id(0)
        hcat = jnp.concatenate([a_ref[...], bg_ref[...]], axis=1)
        o = jnp.dot(hcat.astype(jnp.bfloat16), w_ref[...],
                    preferred_element_type=jnp.float32) + bias_ref[...]
        out_ref[...] = o.astype(jnp.bfloat16)
        ps1 = jnp.sum(o, axis=0, keepdims=True)
        ps2 = jnp.sum(o * o, axis=0, keepdims=True)

        @pl.when(s == 0)
        def _():
            s1_ref[...] = ps1
            s2_ref[...] = ps2

        @pl.when(s > 0)
        def _():
            s1_ref[...] += ps1
            s2_ref[...] += ps2

        @pl.when(s == T - 1)
        def _():
            stout_ref[...] = jnp.concatenate(
                [s1_ref[...], s2_ref[...],
                 jnp.zeros((6, dout), jnp.float32)], axis=0)

    return pl.pallas_call(
        body,
        grid=(T,),
        in_specs=[
            pl.BlockSpec((_RMM, d), lambda s: (s, 0)),
            pl.BlockSpec((_RMM, d), lambda s: (s, 0)),
            pl.BlockSpec((2 * d, dout), lambda s: (0, 0)),
            pl.BlockSpec((1, dout), lambda s: (0, 0)),
        ],
        out_specs=[
            pl.BlockSpec((_RMM, dout), lambda s: (s, 0)),
            pl.BlockSpec((8, dout), lambda s: (0, 0)),
        ],
        out_shape=[
            jax.ShapeDtypeStruct((n, dout), jnp.bfloat16),
            jax.ShapeDtypeStruct((8, dout), jnp.float32),
        ],
        scratch_shapes=[pltpu.VMEM((1, dout), jnp.float32),
                        pltpu.VMEM((1, dout), jnp.float32)],
    )(a, bgat, w, bias)


def kernel(edge_rep, cycle_rep, e2c_idx, cycle_id, c2e_idx,
           Wc1, bc1, gc1, bec1, Wc2, bc2, gc2, bec2, Wc3, bc3,
           We1, be1, ge1, bee1, We2, be2):
    e, d = edge_rep.shape
    cr = cycle_rep.shape[0]
    hdim = Wc1.shape[1]
    TS = cr // (_RSEG * _NSUB)

    ids_row = cycle_id.astype(jnp.int32).reshape(TS, _NSUB, _RSEG)
    bf = jnp.bfloat16

    e2c = _sc_gather(edge_rep, e2c_idx.astype(jnp.int32))
    carr = _fwd_carry(e2c, ids_row, TS, _RSEG, d)
    x1, st1 = _x1_stage(cycle_rep, e2c, ids_row, carr,
                        Wc1.astype(bf), bc1.reshape(1, hdim),
                        TS, _RSEG, d, hdim)
    x2, st2 = _bn_mm(x1, st1, gc1.reshape(1, hdim), bec1.reshape(1, hdim),
                     Wc2.astype(bf), bc2.reshape(1, hdim), cr, True,
                     out_bf16=True)
    cycle_out = _bn_mm(x2, st2, gc2.reshape(1, hdim), bec2.reshape(1, hdim),
                       Wc3.astype(bf), bc3.reshape(1, d), cr, False)
    c2e = _sc_gather(cycle_out, c2e_idx.astype(jnp.int32))
    x3, st3 = _cat_mm(edge_rep, c2e, We1.astype(bf), be1.reshape(1, hdim))
    edge_out = _bn_mm(x3, st3, ge1.reshape(1, hdim), bee1.reshape(1, hdim),
                      We2.astype(bf), be2.reshape(1, d), e, False)
    return (edge_out, cycle_out)

# --- scband reference (transcript-rebuilt; emitter-appended) ---
"""Pipeline reference for scband-edge-cycle-50869592655521 (READ-ONLY COPY).

The authoritative reference and input builder live on the scoring server;
editing this copy changes nothing except your own understanding.
"""

import jax, jax.numpy as jnp
import numpy as np

E = 320000   # edges
CR = 440000  # total cycle ptensor rows (40000*5 + 40000*6)
NC = 80000   # number of cycles
D = 128      # rep_dim
H = 256      # rep_dim * _inner_mlp_mult


def _bn(x, g, b, eps=1e-5):
    mu = jnp.mean(x, axis=0, keepdims=True)
    var = jnp.var(x, axis=0, keepdims=True)
    return (x - mu) / jnp.sqrt(var + eps) * g + b


def setup_inputs(seed: int = 0):
    key = jax.random.key(seed)
    ks = jax.random.split(key, 24)
    s = 0.02
    inp = {
        'edge_rep': jax.random.normal(ks[0], (E, D), jnp.float32),
        'cycle_rep': jax.random.normal(ks[1], (CR, D), jnp.float32),
        'e2c_idx': jax.random.randint(ks[2], (CR,), 0, E),
        'cycle_id': jnp.sort(jax.random.randint(ks[3], (CR,), 0, NC)),
        'c2e_idx': jax.random.randint(ks[4], (E,), 0, CR),
        # cycle_mlp: 3D -> H -> H -> D (Linear+BN+ReLU x2, final Linear)
        'Wc1': jax.random.normal(ks[5], (3 * D, H), jnp.float32) * s,
        'bc1': jnp.zeros((H,), jnp.float32),
        'gc1': jnp.ones((H,), jnp.float32),
        'bec1': jnp.zeros((H,), jnp.float32),
        'Wc2': jax.random.normal(ks[6], (H, H), jnp.float32) * s,
        'bc2': jnp.zeros((H,), jnp.float32),
        'gc2': jnp.ones((H,), jnp.float32),
        'bec2': jnp.zeros((H,), jnp.float32),
        'Wc3': jax.random.normal(ks[7], (H, D), jnp.float32) * s,
        'bc3': jnp.zeros((D,), jnp.float32),
        # edge_mlp: 2D -> H -> D (Linear+BN+ReLU, final Linear)
        'We1': jax.random.normal(ks[8], (2 * D, H), jnp.float32) * s,
        'be1': jnp.zeros((H,), jnp.float32),
        'ge1': jnp.ones((H,), jnp.float32),
        'bee1': jnp.zeros((H,), jnp.float32),
        'We2': jax.random.normal(ks[9], (H, D), jnp.float32) * s,
        'be2': jnp.zeros((D,), jnp.float32),
    }
    return inp


def reference(edge_rep, cycle_rep, e2c_idx, cycle_id, c2e_idx,
              Wc1, bc1, gc1, bec1, Wc2, bc2, gc2, bec2, Wc3, bc3,
              We1, be1, ge1, bee1, We2, be2):
    # gather_from_ptensors: 0th-order edge reps -> 1st-order cycle rows
    e2c = jnp.take(edge_rep, e2c_idx, axis=0)                    # [CR, D]
    # second gather (1b -> 1b, min_overlaps=cycle size): linmaps1->1 = identity + sum-broadcast within cycle
    csum = jax.ops.segment_sum(e2c, cycle_id, num_segments=NC)   # [NC, D]
    e2c2 = jnp.concatenate([e2c, jnp.take(csum, cycle_id, axis=0)], axis=-1)  # [CR, 2D]
    # cycle_mlp on cat([cycle_rep, edge2cycle]) -> [CR, 3D]
    h = jnp.concatenate([cycle_rep, e2c2], axis=-1)
    h = jax.nn.relu(_bn(h @ Wc1 + bc1, gc1, bec1))
    h = jax.nn.relu(_bn(h @ Wc2 + bc2, gc2, bec2))
    cycle_out = h @ Wc3 + bc3                                    # [CR, D]
    # gather 1st-order cycle reps -> 0th-order edge reps
    c2e = jnp.take(cycle_out, c2e_idx, axis=0)                   # [E, D]
    h2 = jnp.concatenate([edge_rep, c2e], axis=-1)               # [E, 2D]
    h2 = jax.nn.relu(_bn(h2 @ We1 + be1, ge1, bee1))
    edge_out = h2 @ We2 + be2                                    # [E, D]
    return (edge_out, cycle_out)

if __name__ == "__main__":
    import jax
    _d = setup_inputs()
    print(jax.jit(kernel)(*tuple(_d.values())))

</pallas_src>

<mosaic_0001>
#map = affine_map<(d0, d1) -> (0, 0)>
#map1 = affine_map<(d0, d1) -> (0)>
module attributes {stable_mosaic.version = 14 : i64} {
  func.func @gk(%arg0: i32, %arg1: i32, %arg2: memref<440000x128xf32, #tpu.memory_space<hbm>>, %arg3: memref<320000xi32, #tpu.memory_space<hbm>>, %arg4: memref<320000x128xf32, #tpu.memory_space<hbm>>, %arg5: memref<400xi32, #tpu.memory_space<vmem>>, %arg6: memref<400xi32, #tpu.memory_space<vmem>>, %arg7: memref<400x128xf32, #tpu.memory_space<vmem>>, %arg8: memref<400x128xf32, #tpu.memory_space<vmem>>, %arg9: memref<!tpu.dma_semaphore, #tpu.memory_space<semaphore_mem>>, %arg10: memref<!tpu.dma_semaphore, #tpu.memory_space<semaphore_mem>>) attributes {dimension_semantics = [#tpu.dimension_semantics<core_parallel>, #tpu.dimension_semantics<subcore_parallel>], iteration_bounds = array<i64: 2, 16>, scalar_prefetch = 0 : i64, scratch_operands = 6 : i64, tpu.core_type = #tpu.core_type<sc_vector_subcore>, window_params = [{transform_indices = #map}, {transform_indices = #map1}, {transform_indices = #map}]} {
    %mul3A = arith.constant 2 : i32
    %mul3A_0 = arith.muli %arg1, %mul3A : i32
    %add3A = arith.addi %mul3A_0, %arg0 : i32
    %scan3A = arith.constant 0 : i32
    %scan3A_1 = arith.constant 0 : i32
    %scan3A_2 = arith.constant 13 : i32
    %scan3A_3 = arith.addi %scan3A_1, %scan3A_2 : i32
    %scan3A_4 = arith.constant 1 : i32
    scf.for %scan3A_6 = %scan3A_1 to %scan3A_3 step %scan3A_4  : i32 {
      %mul3A_7 = arith.constant 2 : i32
      %mul3A_8 = arith.muli %mul3A_7, %scan3A_6 : i32
      %add3A_9 = arith.constant 0 : i32
      %add3A_10 = arith.addi %mul3A_8, %add3A_9 : i32
      %mul3A_11 = arith.constant 32 : i32
      %mul3A_12 = arith.muli %add3A_10, %mul3A_11 : i32
      %add3A_13 = arith.addi %add3A, %mul3A_12 : i32
      %lt3A = arith.constant 800 : i32
      %lt3A_14 = arith.cmpi slt, %add3A_13, %lt3A : i32
      %convert_element_type3A = arith.extui %lt3A_14 : i1 to i32
      %cond3A = arith.constant 0 : i32
      %cond3A_15 = arith.cmpi ne, %convert_element_type3A, %cond3A : i32
      scf.if %cond3A_15 {
        %mul3A_52 = arith.constant 400 : i32
        %mul3A_53 = arith.muli %add3A_13, %mul3A_52 : i32
        "tpu.region"() ({
          %run_scoped3A = tpu.sem_alloc : memref<!tpu.dma_semaphore, #tpu.memory_space<semaphore_mem>>
          %dma_start3A_56 = tpu.memref_slice %arg3[%mul3A_53] : memref<320000xi32, #tpu.memory_space<hbm>> -> memref<400xi32, #tpu.memory_space<hbm>>
          %dma_start3A_57 = tpu.memref_slice %arg3[%mul3A_53] : memref<320000xi32, #tpu.memory_space<hbm>> -> memref<400xi32, #tpu.memory_space<hbm>>
          tpu.enqueue_dma source(%dma_start3A_57 : memref<400xi32, #tpu.memory_space<hbm>>) target(%arg5 : memref<400xi32, #tpu.memory_space<vmem>>) target_semaphore(%run_scoped3A : memref<!tpu.dma_semaphore, #tpu.memory_space<semaphore_mem>>)
          %dma_wait3A = tpu.memref_slice %arg3[%mul3A_53] : memref<320000xi32, #tpu.memory_space<hbm>> -> memref<400xi32, #tpu.memory_space<hbm>>
          %dma_wait3A_58 = tpu.memref_slice %arg3[%mul3A_53] : memref<320000xi32, #tpu.memory_space<hbm>> -> memref<400xi32, #tpu.memory_space<hbm>>
          tpu.wait_dma2 semaphore(%run_scoped3A : memref<!tpu.dma_semaphore, #tpu.memory_space<semaphore_mem>>) src(%dma_wait3A_58 : memref<400xi32, #tpu.memory_space<hbm>>) dst(%arg5 : memref<400xi32, #tpu.memory_space<vmem>>)
          tpu.yield
        }) : () -> ()
        %dma_start3A = arith.constant 0 : i32
        %dma_start3A_54 = arith.constant 0 : i32
        %dma_start3A_55 = tpu.memref_slice %arg2[%dma_start3A, %dma_start3A_54] : memref<440000x128xf32, #tpu.memory_space<hbm>> -> memref<440000x128xf32, #tpu.memory_space<hbm>>
        tpu.enqueue_indirect_dma source(%dma_start3A_55 : memref<440000x128xf32, #tpu.memory_space<hbm>>) target(%arg7 : memref<400x128xf32, #tpu.memory_space<vmem>>) offsets(%arg5 : memref<400xi32, #tpu.memory_space<vmem>>) semaphore(%arg9 : memref<!tpu.dma_semaphore, #tpu.memory_space<semaphore_mem>>)
      } else {
      }
      %mul3A_16 = arith.constant 2 : i32
      %mul3A_17 = arith.muli %mul3A_16, %scan3A_6 : i32
      %add3A_18 = arith.constant 1 : i32
      %add3A_19 = arith.addi %mul3A_17, %add3A_18 : i32
      %mul3A_20 = arith.constant 32 : i32
      %mul3A_21 = arith.muli %add3A_19, %mul3A_20 : i32
      %add3A_22 = arith.addi %add3A, %mul3A_21 : i32
      %lt3A_23 = arith.constant 800 : i32
      %lt3A_24 = arith.cmpi slt, %add3A_22, %lt3A_23 : i32
      %convert_element_type3A_25 = arith.extui %lt3A_24 : i1 to i32
      %cond3A_26 = arith.constant 0 : i32
      %cond3A_27 = arith.cmpi ne, %convert_element_type3A_25, %cond3A_26 : i32
      scf.if %cond3A_27 {
        %mul3A_52 = arith.constant 400 : i32
        %mul3A_53 = arith.muli %add3A_22, %mul3A_52 : i32
        "tpu.region"() ({
          %run_scoped3A = tpu.sem_alloc : memref<!tpu.dma_semaphore, #tpu.memory_space<semaphore_mem>>
          %dma_start3A_56 = tpu.memref_slice %arg3[%mul3A_53] : memref<320000xi32, #tpu.memory_space<hbm>> -> memref<400xi32, #tpu.memory_space<hbm>>
          %dma_start3A_57 = tpu.memref_slice %arg3[%mul3A_53] : memref<320000xi32, #tpu.memory_space<hbm>> -> memref<400xi32, #tpu.memory_space<hbm>>
          tpu.enqueue_dma source(%dma_start3A_57 : memref<400xi32, #tpu.memory_space<hbm>>) target(%arg6 : memref<400xi32, #tpu.memory_space<vmem>>) target_semaphore(%run_scoped3A : memref<!tpu.dma_semaphore, #tpu.memory_space<semaphore_mem>>)
          %dma_wait3A = tpu.memref_slice %arg3[%mul3A_53] : memref<320000xi32, #tpu.memory_space<hbm>> -> memref<400xi32, #tpu.memory_space<hbm>>
          %dma_wait3A_58 = tpu.memref_slice %arg3[%mul3A_53] : memref<320000xi32, #tpu.memory_space<hbm>> -> memref<400xi32, #tpu.memory_space<hbm>>
          tpu.wait_dma2 semaphore(%run_scoped3A : memref<!tpu.dma_semaphore, #tpu.memory_space<semaphore_mem>>) src(%dma_wait3A_58 : memref<400xi32, #tpu.memory_space<hbm>>) dst(%arg6 : memref<400xi32, #tpu.memory_space<vmem>>)
          tpu.yield
        }) : () -> ()
        %dma_start3A = arith.constant 0 : i32
        %dma_start3A_54 = arith.constant 0 : i32
        %dma_start3A_55 = tpu.memref_slice %arg2[%dma_start3A, %dma_start3A_54] : memref<440000x128xf32, #tpu.memory_space<hbm>> -> memref<440000x128xf32, #tpu.memory_space<hbm>>
        tpu.enqueue_indirect_dma source(%dma_start3A_55 : memref<440000x128xf32, #tpu.memory_space<hbm>>) target(%arg8 : memref<400x128xf32, #tpu.memory_space<vmem>>) offsets(%arg6 : memref<400xi32, #tpu.memory_space<vmem>>) semaphore(%arg10 : memref<!tpu.dma_semaphore, #tpu.memory_space<semaphore_mem>>)
      } else {
      }
      %mul3A_28 = arith.constant 2 : i32
      %mul3A_29 = arith.muli %mul3A_28, %scan3A_6 : i32
      %add3A_30 = arith.constant 0 : i32
      %add3A_31 = arith.addi %mul3A_29, %add3A_30 : i32
      %mul3A_32 = arith.constant 32 : i32
      %mul3A_33 = arith.muli %add3A_31, %mul3A_32 : i32
      %add3A_34 = arith.addi %add3A, %mul3A_33 : i32
      %lt3A_35 = arith.constant 800 : i32
      %lt3A_36 = arith.cmpi slt, %add3A_34, %lt3A_35 : i32
      %convert_element_type3A_37 = arith.extui %lt3A_36 : i1 to i32
      %cond3A_38 = arith.constant 0 : i32
      %cond3A_39 = arith.cmpi ne, %convert_element_type3A_37, %cond3A_38 : i32
      scf.if %cond3A_39 {
        %dma_wait3A = arith.constant 0 : i32
        %dma_wait3A_52 = arith.constant 0 : i32
        %dma_wait3A_53 = tpu.memref_slice %arg2[%dma_wait3A, %dma_wait3A_52] : memref<440000x128xf32, #tpu.memory_space<hbm>> -> memref<440000x128xf32, #tpu.memory_space<hbm>>
        tpu.wait_indirect_dma semaphore(%arg9 : memref<!tpu.dma_semaphore, #tpu.memory_space<semaphore_mem>>) src(%dma_wait3A_53 : memref<440000x128xf32, #tpu.memory_space<hbm>>) dst(%arg7 : memref<400x128xf32, #tpu.memory_space<vmem>>)
        %mul3A_54 = arith.constant 400 : i32
        %mul3A_55 = arith.muli %add3A_34, %mul3A_54 : i32
        "tpu.region"() ({
          %run_scoped3A = tpu.sem_alloc : memref<!tpu.dma_semaphore, #tpu.memory_space<semaphore_mem>>
          %dma_start3A = arith.constant 0 : i32
          %dma_start3A_56 = tpu.memref_slice %arg4[%mul3A_55, %dma_start3A] : memref<320000x128xf32, #tpu.memory_space<hbm>> -> memref<400x128xf32, #tpu.memory_space<hbm>>
          %dma_start3A_57 = arith.constant 0 : i32
          %dma_start3A_58 = tpu.memref_slice %arg4[%mul3A_55, %dma_start3A_57] : memref<320000x128xf32, #tpu.memory_space<hbm>> -> memref<400x128xf32, #tpu.memory_space<hbm>>
          tpu.enqueue_dma source(%arg7 : memref<400x128xf32, #tpu.memory_space<vmem>>) target(%dma_start3A_58 : memref<400x128xf32, #tpu.memory_space<hbm>>) target_semaphore(%run_scoped3A : memref<!tpu.dma_semaphore, #tpu.memory_space<semaphore_mem>>)
          %dma_wait3A_59 = arith.constant 0 : i32
          %dma_wait3A_60 = tpu.memref_slice %arg4[%mul3A_55, %dma_wait3A_59] : memref<320000x128xf32, #tpu.memory_space<hbm>> -> memref<400x128xf32, #tpu.memory_space<hbm>>
          %dma_wait3A_61 = arith.constant 0 : i32
          %dma_wait3A_62 = tpu.memref_slice %arg4[%mul3A_55, %dma_wait3A_61] : memref<320000x128xf32, #tpu.memory_space<hbm>> -> memref<400x128xf32, #tpu.memory_space<hbm>>
          tpu.wait_dma2 semaphore(%run_scoped3A : memref<!tpu.dma_semaphore, #tpu.memory_space<semaphore_mem>>) src(%arg7 : memref<400x128xf32, #tpu.memory_space<vmem>>) dst(%dma_wait3A_62 : memref<400x128xf32, #tpu.memory_space<hbm>>)
          tpu.yield
        }) : () -> ()
      } else {
      }
      %mul3A_40 = arith.constant 2 : i32
      %mul3A_41 = arith.muli %mul3A_40, %scan3A_6 : i32
      %add3A_42 = arith.constant 1 : i32
      %add3A_43 = arith.addi %mul3A_41, %add3A_42 : i32
      %mul3A_44 = arith.constant 32 : i32
      %mul3A_45 = arith.muli %add3A_43, %mul3A_44 : i32
      %add3A_46 = arith.addi %add3A, %mul3A_45 : i32
      %lt3A_47 = arith.constant 800 : i32
      %lt3A_48 = arith.cmpi slt, %add3A_46, %lt3A_47 : i32
      %convert_element_type3A_49 = arith.extui %lt3A_48 : i1 to i32
      %cond3A_50 = arith.constant 0 : i32
      %cond3A_51 = arith.cmpi ne, %convert_element_type3A_49, %cond3A_50 : i32
      scf.if %cond3A_51 {
        %dma_wait3A = arith.constant 0 : i32
        %dma_wait3A_52 = arith.constant 0 : i32
        %dma_wait3A_53 = tpu.memref_slice %arg2[%dma_wait3A, %dma_wait3A_52] : memref<440000x128xf32, #tpu.memory_space<hbm>> -> memref<440000x128xf32, #tpu.memory_space<hbm>>
        tpu.wait_indirect_dma semaphore(%arg10 : memref<!tpu.dma_semaphore, #tpu.memory_space<semaphore_mem>>) src(%dma_wait3A_53 : memref<440000x128xf32, #tpu.memory_space<hbm>>) dst(%arg8 : memref<400x128xf32, #tpu.memory_space<vmem>>)
        %mul3A_54 = arith.constant 400 : i32
        %mul3A_55 = arith.muli %add3A_46, %mul3A_54 : i32
        "tpu.region"() ({
          %run_scoped3A = tpu.sem_alloc : memref<!tpu.dma_semaphore, #tpu.memory_space<semaphore_mem>>
          %dma_start3A = arith.constant 0 : i32
          %dma_start3A_56 = tpu.memref_slice %arg4[%mul3A_55, %dma_start3A] : memref<320000x128xf32, #tpu.memory_space<hbm>> -> memref<400x128xf32, #tpu.memory_space<hbm>>
          %dma_start3A_57 = arith.constant 0 : i32
          %dma_start3A_58 = tpu.memref_slice %arg4[%mul3A_55, %dma_start3A_57] : memref<320000x128xf32, #tpu.memory_space<hbm>> -> memref<400x128xf32, #tpu.memory_space<hbm>>
          tpu.enqueue_dma source(%arg8 : memref<400x128xf32, #tpu.memory_space<vmem>>) target(%dma_start3A_58 : memref<400x128xf32, #tpu.memory_space<hbm>>) target_semaphore(%run_scoped3A : memref<!tpu.dma_semaphore, #tpu.memory_space<semaphore_mem>>)
          %dma_wait3A_59 = arith.constant 0 : i32
          %dma_wait3A_60 = tpu.memref_slice %arg4[%mul3A_55, %dma_wait3A_59] : memref<320000x128xf32, #tpu.memory_space<hbm>> -> memref<400x128xf32, #tpu.memory_space<hbm>>
          %dma_wait3A_61 = arith.constant 0 : i32
          %dma_wait3A_62 = tpu.memref_slice %arg4[%mul3A_55, %dma_wait3A_61] : memref<320000x128xf32, #tpu.memory_space<hbm>> -> memref<400x128xf32, #tpu.memory_space<hbm>>
          tpu.wait_dma2 semaphore(%run_scoped3A : memref<!tpu.dma_semaphore, #tpu.memory_space<semaphore_mem>>) src(%arg8 : memref<400x128xf32, #tpu.memory_space<vmem>>) dst(%dma_wait3A_62 : memref<400x128xf32, #tpu.memory_space<hbm>>)
          tpu.yield
        }) : () -> ()
      } else {
      }
    }
    %scan3A_5 = arith.constant 13 : i32
    return
  }
}

#map = affine_map<(d0, d1) -> (0, 0)>
#map1 = affine_map<(d0, d1) -> (0)>
module attributes {stable_mosaic.version = 14 : i64} {
  func.func @gk(%arg0: i32, %arg1: i32, %arg2: memref<320000x128xf32, #tpu.memory_space<hbm>>, %arg3: memref<440000xi32, #tpu.memory_space<hbm>>, %arg4: memref<440000x128xf32, #tpu.memory_space<hbm>>, %arg5: memref<400xi32, #tpu.memory_space<vmem>>, %arg6: memref<400xi32, #tpu.memory_space<vmem>>, %arg7: memref<400x128xf32, #tpu.memory_space<vmem>>, %arg8: memref<400x128xf32, #tpu.memory_space<vmem>>, %arg9: memref<!tpu.dma_semaphore, #tpu.memory_space<semaphore_mem>>, %arg10: memref<!tpu.dma_semaphore, #tpu.memory_space<semaphore_mem>>) attributes {dimension_semantics = [#tpu.dimension_semantics<core_parallel>, #tpu.dimension_semantics<subcore_parallel>], iteration_bounds = array<i64: 2, 16>, scalar_prefetch = 0 : i64, scratch_operands = 6 : i64, tpu.core_type = #tpu.core_type<sc_vector_subcore>, window_params = [{transform_indices = #map}, {transform_indices = #map1}, {transform_indices = #map}]} {
    %mul3A = arith.constant 2 : i32
    %mul3A_0 = arith.muli %arg1, %mul3A : i32
    %add3A = arith.addi %mul3A_0, %arg0 : i32
    %scan3A = arith.constant 0 : i32
    %scan3A_1 = arith.constant 0 : i32
    %scan3A_2 = arith.constant 18 : i32
    %scan3A_3 = arith.addi %scan3A_1, %scan3A_2 : i32
    %scan3A_4 = arith.constant 1 : i32
    scf.for %scan3A_6 = %scan3A_1 to %scan3A_3 step %scan3A_4  : i32 {
      %mul3A_7 = arith.constant 2 : i32
      %mul3A_8 = arith.muli %mul3A_7, %scan3A_6 : i32
      %add3A_9 = arith.constant 0 : i32
      %add3A_10 = arith.addi %mul3A_8, %add3A_9 : i32
      %mul3A_11 = arith.constant 32 : i32
      %mul3A_12 = arith.muli %add3A_10, %mul3A_11 : i32
      %add3A_13 = arith.addi %add3A, %mul3A_12 : i32
      %lt3A = arith.constant 1100 : i32
      %lt3A_14 = arith.cmpi slt, %add3A_13, %lt3A : i32
      %convert_element_type3A = arith.extui %lt3A_14 : i1 to i32
      %cond3A = arith.constant 0 : i32
      %cond3A_15 = arith.cmpi ne, %convert_element_type3A, %cond3A : i32
      scf.if %cond3A_15 {
        %mul3A_52 = arith.constant 400 : i32
        %mul3A_53 = arith.muli %add3A_13, %mul3A_52 : i32
        "tpu.region"() ({
          %run_scoped3A = tpu.sem_alloc : memref<!tpu.dma_semaphore, #tpu.memory_space<semaphore_mem>>
          %dma_start3A_56 = tpu.memref_slice %arg3[%mul3A_53] : memref<440000xi32, #tpu.memory_space<hbm>> -> memref<400xi32, #tpu.memory_space<hbm>>
          %dma_start3A_57 = tpu.memref_slice %arg3[%mul3A_53] : memref<440000xi32, #tpu.memory_space<hbm>> -> memref<400xi32, #tpu.memory_space<hbm>>
          tpu.enqueue_dma source(%dma_start3A_57 : memref<400xi32, #tpu.memory_space<hbm>>) target(%arg5 : memref<400xi32, #tpu.memory_space<vmem>>) target_semaphore(%run_scoped3A : memref<!tpu.dma_semaphore, #tpu.memory_space<semaphore_mem>>)
          %dma_wait3A = tpu.memref_slice %arg3[%mul3A_53] : memref<440000xi32, #tpu.memory_space<hbm>> -> memref<400xi32, #tpu.memory_space<hbm>>
          %dma_wait3A_58 = tpu.memref_slice %arg3[%mul3A_53] : memref<440000xi32, #tpu.memory_space<hbm>> -> memref<400xi32, #tpu.memory_space<hbm>>
          tpu.wait_dma2 semaphore(%run_scoped3A : memref<!tpu.dma_semaphore, #tpu.memory_space<semaphore_mem>>) src(%dma_wait3A_58 : memref<400xi32, #tpu.memory_space<hbm>>) dst(%arg5 : memref<400xi32, #tpu.memory_space<vmem>>)
          tpu.yield
        }) : () -> ()
        %dma_start3A = arith.constant 0 : i32
        %dma_start3A_54 = arith.constant 0 : i32
        %dma_start3A_55 = tpu.memref_slice %arg2[%dma_start3A, %dma_start3A_54] : memref<320000x128xf32, #tpu.memory_space<hbm>> -> memref<320000x128xf32, #tpu.memory_space<hbm>>
        tpu.enqueue_indirect_dma source(%dma_start3A_55 : memref<320000x128xf32, #tpu.memory_space<hbm>>) target(%arg7 : memref<400x128xf32, #tpu.memory_space<vmem>>) offsets(%arg5 : memref<400xi32, #tpu.memory_space<vmem>>) semaphore(%arg9 : memref<!tpu.dma_semaphore, #tpu.memory_space<semaphore_mem>>)
      } else {
      }
      %mul3A_16 = arith.constant 2 : i32
      %mul3A_17 = arith.muli %mul3A_16, %scan3A_6 : i32
      %add3A_18 = arith.constant 1 : i32
      %add3A_19 = arith.addi %mul3A_17, %add3A_18 : i32
      %mul3A_20 = arith.constant 32 : i32
      %mul3A_21 = arith.muli %add3A_19, %mul3A_20 : i32
      %add3A_22 = arith.addi %add3A, %mul3A_21 : i32
      %lt3A_23 = arith.constant 1100 : i32
      %lt3A_24 = arith.cmpi slt, %add3A_22, %lt3A_23 : i32
      %convert_element_type3A_25 = arith.extui %lt3A_24 : i1 to i32
      %cond3A_26 = arith.constant 0 : i32
      %cond3A_27 = arith.cmpi ne, %convert_element_type3A_25, %cond3A_26 : i32
      scf.if %cond3A_27 {
        %mul3A_52 = arith.constant 400 : i32
        %mul3A_53 = arith.muli %add3A_22, %mul3A_52 : i32
        "tpu.region"() ({
          %run_scoped3A = tpu.sem_alloc : memref<!tpu.dma_semaphore, #tpu.memory_space<semaphore_mem>>
          %dma_start3A_56 = tpu.memref_slice %arg3[%mul3A_53] : memref<440000xi32, #tpu.memory_space<hbm>> -> memref<400xi32, #tpu.memory_space<hbm>>
          %dma_start3A_57 = tpu.memref_slice %arg3[%mul3A_53] : memref<440000xi32, #tpu.memory_space<hbm>> -> memref<400xi32, #tpu.memory_space<hbm>>
          tpu.enqueue_dma source(%dma_start3A_57 : memref<400xi32, #tpu.memory_space<hbm>>) target(%arg6 : memref<400xi32, #tpu.memory_space<vmem>>) target_semaphore(%run_scoped3A : memref<!tpu.dma_semaphore, #tpu.memory_space<semaphore_mem>>)
          %dma_wait3A = tpu.memref_slice %arg3[%mul3A_53] : memref<440000xi32, #tpu.memory_space<hbm>> -> memref<400xi32, #tpu.memory_space<hbm>>
          %dma_wait3A_58 = tpu.memref_slice %arg3[%mul3A_53] : memref<440000xi32, #tpu.memory_space<hbm>> -> memref<400xi32, #tpu.memory_space<hbm>>
          tpu.wait_dma2 semaphore(%run_scoped3A : memref<!tpu.dma_semaphore, #tpu.memory_space<semaphore_mem>>) src(%dma_wait3A_58 : memref<400xi32, #tpu.memory_space<hbm>>) dst(%arg6 : memref<400xi32, #tpu.memory_space<vmem>>)
          tpu.yield
        }) : () -> ()
        %dma_start3A = arith.constant 0 : i32
        %dma_start3A_54 = arith.constant 0 : i32
        %dma_start3A_55 = tpu.memref_slice %arg2[%dma_start3A, %dma_start3A_54] : memref<320000x128xf32, #tpu.memory_space<hbm>> -> memref<320000x128xf32, #tpu.memory_space<hbm>>
        tpu.enqueue_indirect_dma source(%dma_start3A_55 : memref<320000x128xf32, #tpu.memory_space<hbm>>) target(%arg8 : memref<400x128xf32, #tpu.memory_space<vmem>>) offsets(%arg6 : memref<400xi32, #tpu.memory_space<vmem>>) semaphore(%arg10 : memref<!tpu.dma_semaphore, #tpu.memory_space<semaphore_mem>>)
      } else {
      }
      %mul3A_28 = arith.constant 2 : i32
      %mul3A_29 = arith.muli %mul3A_28, %scan3A_6 : i32
      %add3A_30 = arith.constant 0 : i32
      %add3A_31 = arith.addi %mul3A_29, %add3A_30 : i32
      %mul3A_32 = arith.constant 32 : i32
      %mul3A_33 = arith.muli %add3A_31, %mul3A_32 : i32
      %add3A_34 = arith.addi %add3A, %mul3A_33 : i32
      %lt3A_35 = arith.constant 1100 : i32
      %lt3A_36 = arith.cmpi slt, %add3A_34, %lt3A_35 : i32
      %convert_element_type3A_37 = arith.extui %lt3A_36 : i1 to i32
      %cond3A_38 = arith.constant 0 : i32
      %cond3A_39 = arith.cmpi ne, %convert_element_type3A_37, %cond3A_38 : i32
      scf.if %cond3A_39 {
        %dma_wait3A = arith.constant 0 : i32
        %dma_wait3A_52 = arith.constant 0 : i32
        %dma_wait3A_53 = tpu.memref_slice %arg2[%dma_wait3A, %dma_wait3A_52] : memref<320000x128xf32, #tpu.memory_space<hbm>> -> memref<320000x128xf32, #tpu.memory_space<hbm>>
        tpu.wait_indirect_dma semaphore(%arg9 : memref<!tpu.dma_semaphore, #tpu.memory_space<semaphore_mem>>) src(%dma_wait3A_53 : memref<320000x128xf32, #tpu.memory_space<hbm>>) dst(%arg7 : memref<400x128xf32, #tpu.memory_space<vmem>>)
        %mul3A_54 = arith.constant 400 : i32
        %mul3A_55 = arith.muli %add3A_34, %mul3A_54 : i32
        "tpu.region"() ({
          %run_scoped3A = tpu.sem_alloc : memref<!tpu.dma_semaphore, #tpu.memory_space<semaphore_mem>>
          %dma_start3A = arith.constant 0 : i32
          %dma_start3A_56 = tpu.memref_slice %arg4[%mul3A_55, %dma_start3A] : memref<440000x128xf32, #tpu.memory_space<hbm>> -> memref<400x128xf32, #tpu.memory_space<hbm>>
          %dma_start3A_57 = arith.constant 0 : i32
          %dma_start3A_58 = tpu.memref_slice %arg4[%mul3A_55, %dma_start3A_57] : memref<440000x128xf32, #tpu.memory_space<hbm>> -> memref<400x128xf32, #tpu.memory_space<hbm>>
          tpu.enqueue_dma source(%arg7 : memref<400x128xf32, #tpu.memory_space<vmem>>) target(%dma_start3A_58 : memref<400x128xf32, #tpu.memory_space<hbm>>) target_semaphore(%run_scoped3A : memref<!tpu.dma_semaphore, #tpu.memory_space<semaphore_mem>>)
          %dma_wait3A_59 = arith.constant 0 : i32
          %dma_wait3A_60 = tpu.memref_slice %arg4[%mul3A_55, %dma_wait3A_59] : memref<440000x128xf32, #tpu.memory_space<hbm>> -> memref<400x128xf32, #tpu.memory_space<hbm>>
          %dma_wait3A_61 = arith.constant 0 : i32
          %dma_wait3A_62 = tpu.memref_slice %arg4[%mul3A_55, %dma_wait3A_61] : memref<440000x128xf32, #tpu.memory_space<hbm>> -> memref<400x128xf32, #tpu.memory_space<hbm>>
          tpu.wait_dma2 semaphore(%run_scoped3A : memref<!tpu.dma_semaphore, #tpu.memory_space<semaphore_mem>>) src(%arg7 : memref<400x128xf32, #tpu.memory_space<vmem>>) dst(%dma_wait3A_62 : memref<400x128xf32, #tpu.memory_space<hbm>>)
          tpu.yield
        }) : () -> ()
      } else {
      }
      %mul3A_40 = arith.constant 2 : i32
      %mul3A_41 = arith.muli %mul3A_40, %scan3A_6 : i32
      %add3A_42 = arith.constant 1 : i32
      %add3A_43 = arith.addi %mul3A_41, %add3A_42 : i32
      %mul3A_44 = arith.constant 32 : i32
      %mul3A_45 = arith.muli %add3A_43, %mul3A_44 : i32
      %add3A_46 = arith.addi %add3A, %mul3A_45 : i32
      %lt3A_47 = arith.constant 1100 : i32
      %lt3A_48 = arith.cmpi slt, %add3A_46, %lt3A_47 : i32
      %convert_element_type3A_49 = arith.extui %lt3A_48 : i1 to i32
      %cond3A_50 = arith.constant 0 : i32
      %cond3A_51 = arith.cmpi ne, %convert_element_type3A_49, %cond3A_50 : i32
      scf.if %cond3A_51 {
        %dma_wait3A = arith.constant 0 : i32
        %dma_wait3A_52 = arith.constant 0 : i32
        %dma_wait3A_53 = tpu.memref_slice %arg2[%dma_wait3A, %dma_wait3A_52] : memref<320000x128xf32, #tpu.memory_space<hbm>> -> memref<320000x128xf32, #tpu.memory_space<hbm>>
        tpu.wait_indirect_dma semaphore(%arg10 : memref<!tpu.dma_semaphore, #tpu.memory_space<semaphore_mem>>) src(%dma_wait3A_53 : memref<320000x128xf32, #tpu.memory_space<hbm>>) dst(%arg8 : memref<400x128xf32, #tpu.memory_space<vmem>>)
        %mul3A_54 = arith.constant 400 : i32
        %mul3A_55 = arith.muli %add3A_46, %mul3A_54 : i32
        "tpu.region"() ({
          %run_scoped3A = tpu.sem_alloc : memref<!tpu.dma_semaphore, #tpu.memory_space<semaphore_mem>>
          %dma_start3A = arith.constant 0 : i32
          %dma_start3A_56 = tpu.memref_slice %arg4[%mul3A_55, %dma_start3A] : memref<440000x128xf32, #tpu.memory_space<hbm>> -> memref<400x128xf32, #tpu.memory_space<hbm>>
          %dma_start3A_57 = arith.constant 0 : i32
          %dma_start3A_58 = tpu.memref_slice %arg4[%mul3A_55, %dma_start3A_57] : memref<440000x128xf32, #tpu.memory_space<hbm>> -> memref<400x128xf32, #tpu.memory_space<hbm>>
          tpu.enqueue_dma source(%arg8 : memref<400x128xf32, #tpu.memory_space<vmem>>) target(%dma_start3A_58 : memref<400x128xf32, #tpu.memory_space<hbm>>) target_semaphore(%run_scoped3A : memref<!tpu.dma_semaphore, #tpu.memory_space<semaphore_mem>>)
          %dma_wait3A_59 = arith.constant 0 : i32
          %dma_wait3A_60 = tpu.memref_slice %arg4[%mul3A_55, %dma_wait3A_59] : memref<440000x128xf32, #tpu.memory_space<hbm>> -> memref<400x128xf32, #tpu.memory_space<hbm>>
          %dma_wait3A_61 = arith.constant 0 : i32
          %dma_wait3A_62 = tpu.memref_slice %arg4[%mul3A_55, %dma_wait3A_61] : memref<440000x128xf32, #tpu.memory_space<hbm>> -> memref<400x128xf32, #tpu.memory_space<hbm>>
          tpu.wait_dma2 semaphore(%run_scoped3A : memref<!tpu.dma_semaphore, #tpu.memory_space<semaphore_mem>>) src(%arg8 : memref<400x128xf32, #tpu.memory_space<vmem>>) dst(%dma_wait3A_62 : memref<400x128xf32, #tpu.memory_space<hbm>>)
          tpu.yield
        }) : () -> ()
      } else {
      }
    }
    %scan3A_5 = arith.constant 18 : i32
    return
  }
}

module attributes {stable_mosaic.version = 14 : i64} {
  func.func @body(%arg0: i32, %arg1: memref<2000x128xf32, #tpu.memory_space<vmem>>, %arg2: memref<1x5x400xi32, #tpu.memory_space<vmem>>, %arg3: memref<1x5x128xf32, #tpu.memory_space<vmem>>, %arg4: memref<1xi32, #tpu.memory_space<smem>>, %arg5: memref<1x128xf32, #tpu.memory_space<vmem>>) attributes {dimension_semantics = [#tpu.dimension_semantics<arbitrary>], iteration_bounds = array<i64: 220>, scalar_prefetch = 0 : i64, scratch_operands = 2 : i64, tpu.core_type = #tpu.core_type<tc>, window_params = [{transform_indices = @transform_0, window_bounds = array<i64: 2000, 128>}, {transform_indices = @transform_1, window_bounds = array<i64: 1, 5, 400>}, {transform_indices = @transform_2, window_bounds = array<i64: 1, 5, 128>}]} {
    %get3A = arith.constant 0 : index
    %get3A_0 = arith.constant 0 : index
    %get3A_1 = arith.constant 0 : index
    %get3A_2 = vector.load %arg2[%get3A, %get3A_0, %get3A_1] : memref<1x5x400xi32, #tpu.memory_space<vmem>>, vector<1x5x400xi32>
    %get3A_3 = vector.shape_cast %get3A_2 : vector<1x5x400xi32> to vector<5x400xi32>
    %slice3A = vector.extract_strided_slice %get3A_3 {offsets = [0, 0], sizes = [1, 400], strides = [1, 1]} : vector<5x400xi32> to vector<1x400xi32>
    %get3A_4 = arith.constant 0 : index
    %get3A_5 = arith.constant 0 : index
    %get3A_6 = vector.load %arg1[%get3A_4, %get3A_5] : memref<2000x128xf32, #tpu.memory_space<vmem>>, vector<400x128xf32>
    %convert_element_type3A = arith.truncf %get3A_6 : vector<400x128xf32> to vector<400x128xbf16>
    %slice3A_7 = vector.extract_strided_slice %get3A_3 {offsets = [0, 0], sizes = [1, 1], strides = [1, 1]} : vector<5x400xi32> to vector<1x1xi32>
    %squeeze3A = vector.extract %slice3A_7[0, 0] : i32 from vector<1x1xi32>
    %slice3A_8 = vector.extract_strided_slice %get3A_3 {offsets = [0, 399], sizes = [1, 1], strides = [1, 1]} : vector<5x400xi32> to vector<1x1xi32>
    %squeeze3A_9 = vector.extract %slice3A_8[0, 0] : i32 from vector<1x1xi32>
    %eq3A = vector.broadcast %squeeze3A_9 : i32 to vector<1x400xi32>
    %eq3A_10 = arith.cmpi eq, %slice3A, %eq3A : vector<1x400xi32>
    %convert_element_type3A_11 = arith.extui %eq3A_10 : vector<1x400xi1> to vector<1x400xi32>
    %convert_element_type3A_12 = arith.sitofp %convert_element_type3A_11 : vector<1x400xi32> to vector<1x400xf32>
    %convert_element_type3A_13 = arith.truncf %convert_element_type3A_12 : vector<1x400xf32> to vector<1x400xbf16>
    %dot_general3A = arith.constant dense<0.000000e+00> : vector<1x128xf32>
    %dot_general3A_14 = tpu.matmul %convert_element_type3A_13, %convert_element_type3A, %dot_general3A {dimension_numbers = #tpu.dot_dimension_numbers<[1], [0], [0], [1], [0, 0, 1, 1], [], []>, transpose_lhs_hint = false} : vector<1x400xbf16>, vector<400x128xbf16>, vector<1x128xf32> -> vector<1x128xf32>
    %gt3A = arith.constant 0 : i32
    %gt3A_15 = arith.cmpi sgt, %arg0, %gt3A : i32
    %or3A = arith.constant false
    %or3A_16 = arith.ori %gt3A_15, %or3A : i1
    %get3A_17 = arith.constant 0 : index
    %get3A_18 = memref.load %arg4[%get3A_17] : memref<1xi32, #tpu.memory_space<smem>>
    %eq3A_19 = arith.cmpi eq, %get3A_18, %squeeze3A : i32
    %and3A = arith.andi %or3A_16, %eq3A_19 : i1
    %get3A_20 = arith.constant 0 : index
    %get3A_21 = arith.constant 0 : index
    %get3A_22 = vector.load %arg5[%get3A_20, %get3A_21] : memref<1x128xf32, #tpu.memory_space<vmem>>, vector<1x128xf32>
    %jit3A = arith.constant 0.000000e+00 : f32
    %broadcast_in_dim3A = vector.broadcast %jit3A : f32 to vector<1x128xf32>
    %select_n3A = arith.select %and3A, %get3A_22, %broadcast_in_dim3A : vector<1x128xf32>
    %swap3A = arith.constant 0 : index
    %swap3A_23 = arith.constant 0 : index
    %swap3A_24 = arith.constant 0 : index
    %swap3A_25 = vector.load %arg3[%swap3A, %swap3A_23, %swap3A_24] : memref<1x5x128xf32, #tpu.memory_space<vmem>>, vector<1x1x128xf32>
    %swap3A_26 = vector.shape_cast %swap3A_25 : vector<1x1x128xf32> to vector<1x128xf32>
    %swap3A_27 = vector.shape_cast %select_n3A : vector<1x128xf32> to vector<1x1x128xf32>
    tpu.vector_store %arg3[%swap3A, %swap3A_23, %swap3A_24], %swap3A_27 {strides = array<i32>} : memref<1x5x128xf32, #tpu.memory_space<vmem>>, vector<1x1x128xf32>,
    %eq3A_28 = arith.cmpi eq, %squeeze3A, %squeeze3A_9 : i32
    %jit3A_29 = arith.constant 0.000000e+00 : f32
    %broadcast_in_dim3A_30 = vector.broadcast %jit3A_29 : f32 to vector<1x128xf32>
    %select_n3A_31 = arith.select %eq3A_28, %select_n3A, %broadcast_in_dim3A_30 : vector<1x128xf32>
    %add3A = arith.addf %dot_general3A_14, %select_n3A_31 : vector<1x128xf32>
    %swap3A_32 = arith.constant 0 : index
    %swap3A_33 = arith.constant 0 : index
    %swap3A_34 = vector.load %arg5[%swap3A_32, %swap3A_33] : memref<1x128xf32, #tpu.memory_space<vmem>>, vector<1x128xf32>
    tpu.vector_store %arg5[%swap3A_32, %swap3A_33], %add3A {strides = array<i32>} : memref<1x128xf32, #tpu.memory_space<vmem>>, vector<1x128xf32>,
    %swap3A_35 = arith.constant 0 : index
    %swap3A_36 = memref.load %arg4[%swap3A_35] : memref<1xi32, #tpu.memory_space<smem>>
    memref.store %squeeze3A_9, %arg4[%swap3A_35] : memref<1xi32, #tpu.memory_space<smem>>
    %slice3A_37 = vector.extract_strided_slice %get3A_3 {offsets = [1, 0], sizes = [1, 400], strides = [1, 1]} : vector<5x400xi32> to vector<1x400xi32>
    %get3A_38 = arith.constant 400 : index
    %get3A_39 = arith.constant 0 : index
    %get3A_40 = vector.load %arg1[%get3A_38, %get3A_39] : memref<2000x128xf32, #tpu.memory_space<vmem>>, vector<400x128xf32>
    %convert_element_type3A_41 = arith.truncf %get3A_40 : vector<400x128xf32> to vector<400x128xbf16>
    %slice3A_42 = vector.extract_strided_slice %get3A_3 {offsets = [1, 0], sizes = [1, 1], strides = [1, 1]} : vector<5x400xi32> to vector<1x1xi32>
    %squeeze3A_43 = vector.extract %slice3A_42[0, 0] : i32 from vector<1x1xi32>
    %slice3A_44 = vector.extract_strided_slice %get3A_3 {offsets = [1, 399], sizes = [1, 1], strides = [1, 1]} : vector<5x400xi32> to vector<1x1xi32>
    %squeeze3A_45 = vector.extract %slice3A_44[0, 0] : i32 from vector<1x1xi32>
    %eq3A_46 = vector.broadcast %squeeze3A_45 : i32 to vector<1x400xi32>
    %eq3A_47 = arith.cmpi eq, %slice3A_37, %eq3A_46 : vector<1x400xi32>
    %convert_element_type3A_48 = arith.extui %eq3A_47 : vector<1x400xi1> to vector<1x400xi32>
    %convert_element_type3A_49 = arith.sitofp %convert_element_type3A_48 : vector<1x400xi32> to vector<1x400xf32>
    %convert_element_type3A_50 = arith.truncf %convert_element_type3A_49 : vector<1x400xf32> to vector<1x400xbf16>
    %dot_general3A_51 = arith.constant dense<0.000000e+00> : vector<1x128xf32>
    %dot_general3A_52 = tpu.matmul %convert_element_type3A_50, %convert_element_type3A_41, %dot_general3A_51 {dimension_numbers = #tpu.dot_dimension_numbers<[1], [0], [0], [1], [0, 0, 1, 1], [], []>, transpose_lhs_hint = false} : vector<1x400xbf16>, vector<400x128xbf16>, vector<1x128xf32> -> vector<1x128xf32>
    %gt3A_53 = arith.constant 0 : i32
    %gt3A_54 = arith.cmpi sgt, %arg0, %gt3A_53 : i32
    %or3A_55 = arith.constant true
    %or3A_56 = arith.ori %gt3A_54, %or3A_55 : i1
    %get3A_57 = arith.constant 0 : index
    %get3A_58 = memref.load %arg4[%get3A_57] : memref<1xi32, #tpu.memory_space<smem>>
    %eq3A_59 = arith.cmpi eq, %get3A_58, %squeeze3A_43 : i32
    %and3A_60 = arith.andi %or3A_56, %eq3A_59 : i1
    %get3A_61 = arith.constant 0 : index
    %get3A_62 = arith.constant 0 : index
    %get3A_63 = vector.load %arg5[%get3A_61, %get3A_62] : memref<1x128xf32, #tpu.memory_space<vmem>>, vector<1x128xf32>
    %jit3A_64 = arith.constant 0.000000e+00 : f32
    %broadcast_in_dim3A_65 = vector.broadcast %jit3A_64 : f32 to vector<1x128xf32>
    %select_n3A_66 = arith.select %and3A_60, %get3A_63, %broadcast_in_dim3A_65 : vector<1x128xf32>
    %swap3A_67 = arith.constant 0 : index
    %swap3A_68 = arith.constant 1 : index
    %swap3A_69 = arith.constant 0 : index
    %swap3A_70 = vector.load %arg3[%swap3A_67, %swap3A_68, %swap3A_69] : memref<1x5x128xf32, #tpu.memory_space<vmem>>, vector<1x1x128xf32>
    %swap3A_71 = vector.shape_cast %swap3A_70 : vector<1x1x128xf32> to vector<1x128xf32>
    %swap3A_72 = vector.shape_cast %select_n3A_66 : vector<1x128xf32> to vector<1x1x128xf32>
    tpu.vector_store %arg3[%swap3A_67, %swap3A_68, %swap3A_69], %swap3A_72 {strides = array<i32>} : memref<1x5x128xf32, #tpu.memory_space<vmem>>, vector<1x1x128xf32>,
    %eq3A_73 = arith.cmpi eq, %squeeze3A_43, %squeeze3A_45 : i32
    %jit3A_74 = arith.constant 0.000000e+00 : f32
    %broadcast_in_dim3A_75 = vector.broadcast %jit3A_74 : f32 to vector<1x128xf32>
    %select_n3A_76 = arith.select %eq3A_73, %select_n3A_66, %broadcast_in_dim3A_75 : vector<1x128xf32>
    %add3A_77 = arith.addf %dot_general3A_52, %select_n3A_76 : vector<1x128xf32>
    %swap3A_78 = arith.constant 0 : index
    %swap3A_79 = arith.constant 0 : index
    %swap3A_80 = vector.load %arg5[%swap3A_78, %swap3A_79] : memref<1x128xf32, #tpu.memory_space<vmem>>, vector<1x128xf32>
    tpu.vector_store %arg5[%swap3A_78, %swap3A_79], %add3A_77 {strides = array<i32>} : memref<1x128xf32, #tpu.memory_space<vmem>>, vector<1x128xf32>,
    %swap3A_81 = arith.constant 0 : index
    %swap3A_82 = memref.load %arg4[%swap3A_81] : memref<1xi32, #tpu.memory_space<smem>>
    memref.store %squeeze3A_45, %arg4[%swap3A_81] : memref<1xi32, #tpu.memory_space<smem>>
    %slice3A_83 = vector.extract_strided_slice %get3A_3 {offsets = [2, 0], sizes = [1, 400], strides = [1, 1]} : vector<5x400xi32> to vector<1x400xi32>
    %get3A_84 = arith.constant 800 : index
    %get3A_85 = arith.constant 0 : index
    %get3A_86 = vector.load %arg1[%get3A_84, %get3A_85] : memref<2000x128xf32, #tpu.memory_space<vmem>>, vector<400x128xf32>
    %convert_element_type3A_87 = arith.truncf %get3A_86 : vector<400x128xf32> to vector<400x128xbf16>
    %slice3A_88 = vector.extract_strided_slice %get3A_3 {offsets = [2, 0], sizes = [1, 1], strides = [1, 1]} : vector<5x400xi32> to vector<1x1xi32>
    %squeeze3A_89 = vector.extract %slice3A_88[0, 0] : i32 from vector<1x1xi32>
    %slice3A_90 = vector.extract_strided_slice %get3A_3 {offsets = [2, 399], sizes = [1, 1], strides = [1, 1]} : vector<5x400xi32> to vector<1x1xi32>
    %squeeze3A_91 = vector.extract %slice3A_90[0, 0] : i32 from vector<1x1xi32>
    %eq3A_92 = vector.broadcast %squeeze3A_91 : i32 to vector<1x400xi32>
    %eq3A_93 = arith.cmpi eq, %slice3A_83, %eq3A_92 : vector<1x400xi32>
    %convert_element_type3A_94 = arith.extui %eq3A_93 : vector<1x400xi1> to vector<1x400xi32>
    %convert_element_type3A_95 = arith.sitofp %convert_element_type3A_94 : vector<1x400xi32> to vector<1x400xf32>
    %convert_element_type3A_96 = arith.truncf %convert_element_type3A_95 : vector<1x400xf32> to vector<1x400xbf16>
    %dot_general3A_97 = arith.constant dense<0.000000e+00> : vector<1x128xf32>
    %dot_general3A_98 = tpu.matmul %convert_element_type3A_96, %convert_element_type3A_87, %dot_general3A_97 {dimension_numbers = #tpu.dot_dimension_numbers<[1], [0], [0], [1], [0, 0, 1, 1], [], []>, transpose_lhs_hint = false} : vector<1x400xbf16>, vector<400x128xbf16>, vector<1x128xf32> -> vector<1x128xf32>
    %gt3A_99 = arith.constant 0 : i32
    %gt3A_100 = arith.cmpi sgt, %arg0, %gt3A_99 : i32
    %or3A_101 = arith.constant true
    %or3A_102 = arith.ori %gt3A_100, %or3A_101 : i1
    %get3A_103 = arith.constant 0 : index
    %get3A_104 = memref.load %arg4[%get3A_103] : memref<1xi32, #tpu.memory_space<smem>>
    %eq3A_105 = arith.cmpi eq, %get3A_104, %squeeze3A_89 : i32
    %and3A_106 = arith.andi %or3A_102, %eq3A_105 : i1
    %get3A_107 = arith.constant 0 : index
    %get3A_108 = arith.constant 0 : index
    %get3A_109 = vector.load %arg5[%get3A_107, %get3A_108] : memref<1x128xf32, #tpu.memory_space<vmem>>, vector<1x128xf32>
    %jit3A_110 = arith.constant 0.000000e+00 : f32
    %broadcast_in_dim3A_111 = vector.broadcast %jit3A_110 : f32 to vector<1x128xf32>
    %select_n3A_112 = arith.select %and3A_106, %get3A_109, %broadcast_in_dim3A_111 : vector<1x128xf32>
    %swap3A_113 = arith.constant 0 : index
    %swap3A_114 = arith.constant 2 : index
    %swap3A_115 = arith.constant 0 : index
    %swap3A_116 = vector.load %arg3[%swap3A_113, %swap3A_114, %swap3A_115] : memref<1x5x128xf32, #tpu.memory_space<vmem>>, vector<1x1x128xf32>
    %swap3A_117 = vector.shape_cast %swap3A_116 : vector<1x1x128xf32> to vector<1x128xf32>
    %swap3A_118 = vector.shape_cast %select_n3A_112 : vector<1x128xf32> to vector<1x1x128xf32>
    tpu.vector_store %arg3[%swap3A_113, %swap3A_114, %swap3A_115], %swap3A_118 {strides = array<i32>} : memref<1x5x128xf32, #tpu.memory_space<vmem>>, vector<1x1x128xf32>,
    %eq3A_119 = arith.cmpi eq, %squeeze3A_89, %squeeze3A_91 : i32
    %jit3A_120 = arith.constant 0.000000e+00 : f32
    %broadcast_in_dim3A_121 = vector.broadcast %jit3A_120 : f32 to vector<1x128xf32>
    %select_n3A_122 = arith.select %eq3A_119, %select_n3A_112, %broadcast_in_dim3A_121 : vector<1x128xf32>
    %add3A_123 = arith.addf %dot_general3A_98, %select_n3A_122 : vector<1x128xf32>
    %swap3A_124 = arith.constant 0 : index
    %swap3A_125 = arith.constant 0 : index
    %swap3A_126 = vector.load %arg5[%swap3A_124, %swap3A_125] : memref<1x128xf32, #tpu.memory_space<vmem>>, vector<1x128xf32>
    tpu.vector_store %arg5[%swap3A_124, %swap3A_125], %add3A_123 {strides = array<i32>} : memref<1x128xf32, #tpu.memory_space<vmem>>, vector<1x128xf32>,
    %swap3A_127 = arith.constant 0 : index
    %swap3A_128 = memref.load %arg4[%swap3A_127] : memref<1xi32, #tpu.memory_space<smem>>
    memref.store %squeeze3A_91, %arg4[%swap3A_127] : memref<1xi32, #tpu.memory_space<smem>>
    %slice3A_129 = vector.extract_strided_slice %get3A_3 {offsets = [3, 0], sizes = [1, 400], strides = [1, 1]} : vector<5x400xi32> to vector<1x400xi32>
    %get3A_130 = arith.constant 1200 : index
    %get3A_131 = arith.constant 0 : index
    %get3A_132 = vector.load %arg1[%get3A_130, %get3A_131] : memref<2000x128xf32, #tpu.memory_space<vmem>>, vector<400x128xf32>
    %convert_element_type3A_133 = arith.truncf %get3A_132 : vector<400x128xf32> to vector<400x128xbf16>
    %slice3A_134 = vector.extract_strided_slice %get3A_3 {offsets = [3, 0], sizes = [1, 1], strides = [1, 1]} : vector<5x400xi32> to vector<1x1xi32>
    %squeeze3A_135 = vector.extract %slice3A_134[0, 0] : i32 from vector<1x1xi32>
    %slice3A_136 = vector.extract_strided_slice %get3A_3 {offsets = [3, 399], sizes = [1, 1], strides = [1, 1]} : vector<5x400xi32> to vector<1x1xi32>
    %squeeze3A_137 = vector.extract %slice3A_136[0, 0] : i32 from vector<1x1xi32>
    %eq3A_138 = vector.broadcast %squeeze3A_137 : i32 to vector<1x400xi32>
    %eq3A_139 = arith.cmpi eq, %slice3A_129, %eq3A_138 : vector<1x400xi32>
    %convert_element_type3A_140 = arith.extui %eq3A_139 : vector<1x400xi1> to vector<1x400xi32>
    %convert_element_type3A_141 = arith.sitofp %convert_element_type3A_140 : vector<1x400xi32> to vector<1x400xf32>
    %convert_element_type3A_142 = arith.truncf %convert_element_type3A_141 : vector<1x400xf32> to vector<1x400xbf16>
    %dot_general3A_143 = arith.constant dense<0.000000e+00> : vector<1x128xf32>
    %dot_general3A_144 = tpu.matmul %convert_element_type3A_142, %convert_element_type3A_133, %dot_general3A_143 {dimension_numbers = #tpu.dot_dimension_numbers<[1], [0], [0], [1], [0, 0, 1, 1], [], []>, transpose_lhs_hint = false} : vector<1x400xbf16>, vector<400x128xbf16>, vector<1x128xf32> -> vector<1x128xf32>
    %gt3A_145 = arith.constant 0 : i32
    %gt3A_146 = arith.cmpi sgt, %arg0, %gt3A_145 : i32
    %or3A_147 = arith.constant true
    %or3A_148 = arith.ori %gt3A_146, %or3A_147 : i1
    %get3A_149 = arith.constant 0 : index
    %get3A_150 = memref.load %arg4[%get3A_149] : memref<1xi32, #tpu.memory_space<smem>>
    %eq3A_151 = arith.cmpi eq, %get3A_150, %squeeze3A_135 : i32
    %and3A_152 = arith.andi %or3A_148, %eq3A_151 : i1
    %get3A_153 = arith.constant 0 : index
    %get3A_154 = arith.constant 0 : index
    %get3A_155 = vector.load %arg5[%get3A_153, %get3A_154] : memref<1x128xf32, #tpu.memory_space<vmem>>, vector<1x128xf32>
    %jit3A_156 = arith.constant 0.000000e+00 : f32
    %broadcast_in_dim3A_157 = vector.broadcast %jit3A_156 : f32 to vector<1x128xf32>
    %select_n3A_158 = arith.select %and3A_152, %get3A_155, %broadcast_in_dim3A_157 : vector<1x128xf32>
    %swap3A_159 = arith.constant 0 : index
    %swap3A_160 = arith.constant 3 : index
    %swap3A_161 = arith.constant 0 : index
    %swap3A_162 = vector.load %arg3[%swap3A_159, %swap3A_160, %swap3A_161] : memref<1x5x128xf32, #tpu.memory_space<vmem>>, vector<1x1x128xf32>
    %swap3A_163 = vector.shape_cast %swap3A_162 : vector<1x1x128xf32> to vector<1x128xf32>
    %swap3A_164 = vector.shape_cast %select_n3A_158 : vector<1x128xf32> to vector<1x1x128xf32>
    tpu.vector_store %arg3[%swap3A_159, %swap3A_160, %swap3A_161], %swap3A_164 {strides = array<i32>} : memref<1x5x128xf32, #tpu.memory_space<vmem>>, vector<1x1x128xf32>,
    %eq3A_165 = arith.cmpi eq, %squeeze3A_135, %squeeze3A_137 : i32
    %jit3A_166 = arith.constant 0.000000e+00 : f32
    %broadcast_in_dim3A_167 = vector.broadcast %jit3A_166 : f32 to vector<1x128xf32>
    %select_n3A_168 = arith.select %eq3A_165, %select_n3A_158, %broadcast_in_dim3A_167 : vector<1x128xf32>
    %add3A_169 = arith.addf %dot_general3A_144, %select_n3A_168 : vector<1x128xf32>
    %swap3A_170 = arith.constant 0 : index
    %swap3A_171 = arith.constant 0 : index
    %swap3A_172 = vector.load %arg5[%swap3A_170, %swap3A_171] : memref<1x128xf32, #tpu.memory_space<vmem>>, vector<1x128xf32>
    tpu.vector_store %arg5[%swap3A_170, %swap3A_171], %add3A_169 {strides = array<i32>} : memref<1x128xf32, #tpu.memory_space<vmem>>, vector<1x128xf32>,
    %swap3A_173 = arith.constant 0 : index
    %swap3A_174 = memref.load %arg4[%swap3A_173] : memref<1xi32, #tpu.memory_space<smem>>
    memref.store %squeeze3A_137, %arg4[%swap3A_173] : memref<1xi32, #tpu.memory_space<smem>>
    %slice3A_175 = vector.extract_strided_slice %get3A_3 {offsets = [4, 0], sizes = [1, 400], strides = [1, 1]} : vector<5x400xi32> to vector<1x400xi32>
    %get3A_176 = arith.constant 1600 : index
    %get3A_177 = arith.constant 0 : index
    %get3A_178 = vector.load %arg1[%get3A_176, %get3A_177] : memref<2000x128xf32, #tpu.memory_space<vmem>>, vector<400x128xf32>
    %convert_element_type3A_179 = arith.truncf %get3A_178 : vector<400x128xf32> to vector<400x128xbf16>
    %slice3A_180 = vector.extract_strided_slice %get3A_3 {offsets = [4, 0], sizes = [1, 1], strides = [1, 1]} : vector<5x400xi32> to vector<1x1xi32>
    %squeeze3A_181 = vector.extract %slice3A_180[0, 0] : i32 from vector<1x1xi32>
    %slice3A_182 = vector.extract_strided_slice %get3A_3 {offsets = [4, 399], sizes = [1, 1], strides = [1, 1]} : vector<5x400xi32> to vector<1x1xi32>
    %squeeze3A_183 = vector.extract %slice3A_182[0, 0] : i32 from vector<1x1xi32>
    %eq3A_184 = vector.broadcast %squeeze3A_183 : i32 to vector<1x400xi32>
    %eq3A_185 = arith.cmpi eq, %slice3A_175, %eq3A_184 : vector<1x400xi32>
    %convert_element_type3A_186 = arith.extui %eq3A_185 : vector<1x400xi1> to vector<1x400xi32>
    %convert_element_type3A_187 = arith.sitofp %convert_element_type3A_186 : vector<1x400xi32> to vector<1x400xf32>
    %convert_element_type3A_188 = arith.truncf %convert_element_type3A_187 : vector<1x400xf32> to vector<1x400xbf16>
    %dot_general3A_189 = arith.constant dense<0.000000e+00> : vector<1x128xf32>
    %dot_general3A_190 = tpu.matmul %convert_element_type3A_188, %convert_element_type3A_179, %dot_general3A_189 {dimension_numbers = #tpu.dot_dimension_numbers<[1], [0], [0], [1], [0, 0, 1, 1], [], []>, transpose_lhs_hint = false} : vector<1x400xbf16>, vector<400x128xbf16>, vector<1x128xf32> -> vector<1x128xf32>
    %gt3A_191 = arith.constant 0 : i32
    %gt3A_192 = arith.cmpi sgt, %arg0, %gt3A_191 : i32
    %or3A_193 = arith.constant true
    %or3A_194 = arith.ori %gt3A_192, %or3A_193 : i1
    %get3A_195 = arith.constant 0 : index
    %get3A_196 = memref.load %arg4[%get3A_195] : memref<1xi32, #tpu.memory_space<smem>>
    %eq3A_197 = arith.cmpi eq, %get3A_196, %squeeze3A_181 : i32
    %and3A_198 = arith.andi %or3A_194, %eq3A_197 : i1
    %get3A_199 = arith.constant 0 : index
    %get3A_200 = arith.constant 0 : index
    %get3A_201 = vector.load %arg5[%get3A_199, %get3A_200] : memref<1x128xf32, #tpu.memory_space<vmem>>, vector<1x128xf32>
    %jit3A_202 = arith.constant 0.000000e+00 : f32
    %broadcast_in_dim3A_203 = vector.broadcast %jit3A_202 : f32 to vector<1x128xf32>
    %select_n3A_204 = arith.select %and3A_198, %get3A_201, %broadcast_in_dim3A_203 : vector<1x128xf32>
    %swap3A_205 = arith.constant 0 : index
    %swap3A_206 = arith.constant 4 : index
    %swap3A_207 = arith.constant 0 : index
    %swap3A_208 = vector.load %arg3[%swap3A_205, %swap3A_206, %swap3A_207] : memref<1x5x128xf32, #tpu.memory_space<vmem>>, vector<1x1x128xf32>
    %swap3A_209 = vector.shape_cast %swap3A_208 : vector<1x1x128xf32> to vector<1x128xf32>
    %swap3A_210 = vector.shape_cast %select_n3A_204 : vector<1x128xf32> to vector<1x1x128xf32>
    tpu.vector_store %arg3[%swap3A_205, %swap3A_206, %swap3A_207], %swap3A_210 {strides = array<i32>} : memref<1x5x128xf32, #tpu.memory_space<vmem>>, vector<1x1x128xf32>,
    %eq3A_211 = arith.cmpi eq, %squeeze3A_181, %squeeze3A_183 : i32
    %jit3A_212 = arith.constant 0.000000e+00 : f32
    %broadcast_in_dim3A_213 = vector.broadcast %jit3A_212 : f32 to vector<1x128xf32>
    %select_n3A_214 = arith.select %eq3A_211, %select_n3A_204, %broadcast_in_dim3A_213 : vector<1x128xf32>
    %add3A_215 = arith.addf %dot_general3A_190, %select_n3A_214 : vector<1x128xf32>
    %swap3A_216 = arith.constant 0 : index
    %swap3A_217 = arith.constant 0 : index
    %swap3A_218 = vector.load %arg5[%swap3A_216, %swap3A_217] : memref<1x128xf32, #tpu.memory_space<vmem>>, vector<1x128xf32>
    tpu.vector_store %arg5[%swap3A_216, %swap3A_217], %add3A_215 {strides = array<i32>} : memref<1x128xf32, #tpu.memory_space<vmem>>, vector<1x128xf32>,
    %swap3A_219 = arith.constant 0 : index
    %swap3A_220 = memref.load %arg4[%swap3A_219] : memref<1xi32, #tpu.memory_space<smem>>
    memref.store %squeeze3A_183, %arg4[%swap3A_219] : memref<1xi32, #tpu.memory_space<smem>>
    return
  }
  func.func @transform_0(%arg0: i32) -> (i32, i32) {
    %c0_i32 = arith.constant 0 : i32
    %c0_i32_0 = arith.constant 0 : i32
    return %arg0, %c0_i32 : i32, i32
  }
  func.func @transform_1(%arg0: i32) -> (i32, i32, i32) {
    %c0_i32 = arith.constant 0 : i32
    %c0_i32_0 = arith.constant 0 : i32
    %c0_i32_1 = arith.constant 0 : i32
    return %arg0, %c0_i32, %c0_i32_0 : i32, i32, i32
  }
  func.func @transform_2(%arg0: i32) -> (i32, i32, i32) {
    %c0_i32 = arith.constant 0 : i32
    %c0_i32_0 = arith.constant 0 : i32
    %c0_i32_1 = arith.constant 0 : i32
    return %arg0, %c0_i32, %c0_i32_0 : i32, i32, i32
  }
}

module attributes {stable_mosaic.version = 14 : i64} {
  func.func @body(%arg0: i32, %arg1: memref<10000x256xbf16, #tpu.memory_space<vmem>>, %arg2: memref<8x256xf32, #tpu.memory_space<vmem>>, %arg3: memref<1x256xf32, #tpu.memory_space<vmem>>, %arg4: memref<1x256xf32, #tpu.memory_space<vmem>>, %arg5: memref<256x256xbf16, #tpu.memory_space<vmem>>, %arg6: memref<1x256xf32, #tpu.memory_space<vmem>>, %arg7: memref<10000x256xbf16, #tpu.memory_space<vmem>>, %arg8: memref<8x256xf32, #tpu.memory_space<vmem>>, %arg9: memref<1x256xf32, #tpu.memory_space<vmem>>, %arg10: memref<1x256xf32, #tpu.memory_space<vmem>>) attributes {dimension_semantics = [#tpu.dimension_semantics<arbitrary>], iteration_bounds = array<i64: 44>, scalar_prefetch = 0 : i64, scratch_operands = 2 : i64, tpu.core_type = #tpu.core_type<tc>, window_params = [{transform_indices = @transform_0, window_bounds = array<i64: 10000, 256>}, {pipeline_mode = #tpu.pipeline_mode<synchronous>, transform_indices = @transform_1, window_bounds = array<i64: 8, 256>}, {pipeline_mode = #tpu.pipeline_mode<synchronous>, transform_indices = @transform_2, window_bounds = array<i64: 1, 256>}, {pipeline_mode = #tpu.pipeline_mode<synchronous>, transform_indices = @transform_3, window_bounds = array<i64: 1, 256>}, {pipeline_mode = #tpu.pipeline_mode<synchronous>, transform_indices = @transform_4, window_bounds = array<i64: 256, 256>}, {pipeline_mode = #tpu.pipeline_mode<synchronous>, transform_indices = @transform_5, window_bounds = array<i64: 1, 256>}, {transform_indices = @transform_6, window_bounds = array<i64: 10000, 256>}, {pipeline_mode = #tpu.pipeline_mode<synchronous>, transform_indices = @transform_7, window_bounds = array<i64: 8, 256>}]} {
    %get3A = arith.constant 0 : index
    %get3A_0 = arith.constant 0 : index
    %get3A_1 = vector.load %arg2[%get3A, %get3A_0] : memref<8x256xf32, #tpu.memory_space<vmem>>, vector<1x256xf32>
    %mul3A = arith.constant 2.27272722E-6 : f32
    %mul3A_2 = vector.broadcast %mul3A : f32 to vector<1x256xf32>
    %mul3A_3 = arith.mulf %get3A_1, %mul3A_2 : vector<1x256xf32>
    %get3A_4 = arith.constant 1 : index
    %get3A_5 = arith.constant 0 : index
    %get3A_6 = vector.load %arg2[%get3A_4, %get3A_5] : memref<8x256xf32, #tpu.memory_space<vmem>>, vector<1x256xf32>
    %mul3A_7 = arith.constant 2.27272722E-6 : f32
    %mul3A_8 = vector.broadcast %mul3A_7 : f32 to vector<1x256xf32>
    %mul3A_9 = arith.mulf %get3A_6, %mul3A_8 : vector<1x256xf32>
    %mul3A_10 = arith.mulf %mul3A_3, %mul3A_3 : vector<1x256xf32>
    %sub3A = arith.subf %mul3A_9, %mul3A_10 : vector<1x256xf32>
    %max3A = arith.constant 0.000000e+00 : f32
    %max3A_11 = vector.broadcast %max3A : f32 to vector<1x256xf32>
    %max3A_12 = arith.maximumf %sub3A, %max3A_11 : vector<1x256xf32>
    %add3A = arith.constant 9.99999974E-6 : f32
    %add3A_13 = vector.broadcast %add3A : f32 to vector<1x256xf32>
    %add3A_14 = arith.addf %max3A_12, %add3A_13 : vector<1x256xf32>
    %rsqrt3A = math.rsqrt %add3A_14 : vector<1x256xf32>
    %get3A_15 = arith.constant 0 : index
    %get3A_16 = arith.constant 0 : index
    %get3A_17 = vector.load %arg3[%get3A_15, %get3A_16] : memref<1x256xf32, #tpu.memory_space<vmem>>, vector<1x256xf32>
    %mul3A_18 = arith.mulf %rsqrt3A, %get3A_17 : vector<1x256xf32>
    %get3A_19 = arith.constant 0 : index
    %get3A_20 = arith.constant 0 : index
    %get3A_21 = vector.load %arg4[%get3A_19, %get3A_20] : memref<1x256xf32, #tpu.memory_space<vmem>>, vector<1x256xf32>
    %mul3A_22 = arith.mulf %mul3A_3, %mul3A_18 : vector<1x256xf32>
    %sub3A_23 = arith.subf %get3A_21, %mul3A_22 : vector<1x256xf32>
    %get3A_24 = arith.constant 0 : index
    %get3A_25 = arith.constant 0 : index
    %get3A_26 = vector.load %arg1[%get3A_24, %get3A_25] : memref<10000x256xbf16, #tpu.memory_space<vmem>>, vector<10000x256xbf16>
    %convert_element_type3A = arith.extf %get3A_26 : vector<10000x256xbf16> to vector<10000x256xf32>
    %mul3A_27 = vector.broadcast %mul3A_18 : vector<1x256xf32> to vector<10000x256xf32>
    %mul3A_28 = arith.mulf %convert_element_type3A, %mul3A_27 : vector<10000x256xf32>
    %add3A_29 = vector.broadcast %sub3A_23 : vector<1x256xf32> to vector<10000x256xf32>
    %add3A_30 = arith.addf %mul3A_28, %add3A_29 : vector<10000x256xf32>
    %max3A_31 = arith.constant 0.000000e+00 : f32
    %max3A_32 = vector.broadcast %max3A_31 : f32 to vector<10000x256xf32>
    %max3A_33 = arith.maximumf %add3A_30, %max3A_32 : vector<10000x256xf32>
    %convert_element_type3A_34 = arith.truncf %max3A_33 : vector<10000x256xf32> to vector<10000x256xbf16>
    %get3A_35 = arith.constant 0 : index
    %get3A_36 = arith.constant 0 : index
    %get3A_37 = vector.load %arg5[%get3A_35, %get3A_36] : memref<256x256xbf16, #tpu.memory_space<vmem>>, vector<256x256xbf16>
    %dot_general3A = arith.constant dense<0.000000e+00> : vector<10000x256xf32>
    %dot_general3A_38 = tpu.matmul %convert_element_type3A_34, %get3A_37, %dot_general3A {dimension_numbers = #tpu.dot_dimension_numbers<[1], [0], [0], [1], [0, 0, 1, 1], [], []>, transpose_lhs_hint = false} : vector<10000x256xbf16>, vector<256x256xbf16>, vector<10000x256xf32> -> vector<10000x256xf32>
    %get3A_39 = arith.constant 0 : index
    %get3A_40 = arith.constant 0 : index
    %get3A_41 = vector.load %arg6[%get3A_39, %get3A_40] : memref<1x256xf32, #tpu.memory_space<vmem>>, vector<1x256xf32>
    %add3A_42 = vector.broadcast %get3A_41 : vector<1x256xf32> to vector<10000x256xf32>
    %add3A_43 = arith.addf %dot_general3A_38, %add3A_42 : vector<10000x256xf32>
    %convert_element_type3A_44 = arith.truncf %add3A_43 : vector<10000x256xf32> to vector<10000x256xbf16>
    %swap3A = arith.constant 0 : index
    %swap3A_45 = arith.constant 0 : index
    %swap3A_46 = vector.load %arg7[%swap3A, %swap3A_45] : memref<10000x256xbf16, #tpu.memory_space<vmem>>, vector<10000x256xbf16>
    tpu.vector_store %arg7[%swap3A, %swap3A_45], %convert_element_type3A_44 {strides = array<i32>} : memref<10000x256xbf16, #tpu.memory_space<vmem>>, vector<10000x256xbf16>,
    %reduce_sum3A = arith.constant dense<0.000000e+00> : vector<256xf32>
    %reduce_sum3A_47 = vector.multi_reduction <add>, %add3A_43, %reduce_sum3A [0] : vector<10000x256xf32> to vector<256xf32>
    %broadcast_in_dim3A = vector.shape_cast %reduce_sum3A_47 : vector<256xf32> to vector<1x256xf32>
    %mul3A_48 = arith.mulf %add3A_43, %add3A_43 : vector<10000x256xf32>
    %reduce_sum3A_49 = arith.constant dense<0.000000e+00> : vector<256xf32>
    %reduce_sum3A_50 = vector.multi_reduction <add>, %mul3A_48, %reduce_sum3A_49 [0] : vector<10000x256xf32> to vector<256xf32>
    %broadcast_in_dim3A_51 = vector.shape_cast %reduce_sum3A_50 : vector<256xf32> to vector<1x256xf32>
    %eq3A = arith.constant 0 : i32
    %eq3A_52 = arith.cmpi eq, %arg0, %eq3A : i32
    %convert_element_type3A_53 = arith.extui %eq3A_52 : i1 to i32
    %cond3A = arith.constant 0 : i32
    %cond3A_54 = arith.cmpi ne, %convert_element_type3A_53, %cond3A : i32
    scf.if %cond3A_54 {
      %swap3A_64 = arith.constant 0 : index
      %swap3A_65 = arith.constant 0 : index
      %swap3A_66 = vector.load %arg9[%swap3A_64, %swap3A_65] : memref<1x256xf32, #tpu.memory_space<vmem>>, vector<1x256xf32>
      tpu.vector_store %arg9[%swap3A_64, %swap3A_65], %broadcast_in_dim3A {strides = array<i32>} : memref<1x256xf32, #tpu.memory_space<vmem>>, vector<1x256xf32>,
      %swap3A_67 = arith.constant 0 : index
      %swap3A_68 = arith.constant 0 : index
      %swap3A_69 = vector.load %arg10[%swap3A_67, %swap3A_68] : memref<1x256xf32, #tpu.memory_space<vmem>>, vector<1x256xf32>
      tpu.vector_store %arg10[%swap3A_67, %swap3A_68], %broadcast_in_dim3A_51 {strides = array<i32>} : memref<1x256xf32, #tpu.memory_space<vmem>>, vector<1x256xf32>,
    } else {
    }
    %gt3A = arith.constant 0 : i32
    %gt3A_55 = arith.cmpi sgt, %arg0, %gt3A : i32
    %convert_element_type3A_56 = arith.extui %gt3A_55 : i1 to i32
    %cond3A_57 = arith.constant 0 : i32
    %cond3A_58 = arith.cmpi ne, %convert_element_type3A_56, %cond3A_57 : i32
    scf.if %cond3A_58 {
      %get3A_64 = arith.constant 0 : index
      %get3A_65 = arith.constant 0 : index
      %get3A_66 = vector.load %arg9[%get3A_64, %get3A_65] : memref<1x256xf32, #tpu.memory_space<vmem>>, vector<1x256xf32>
      %add3A_67 = arith.addf %get3A_66, %broadcast_in_dim3A : vector<1x256xf32>
      %swap3A_68 = arith.constant 0 : index
      %swap3A_69 = arith.constant 0 : index
      %swap3A_70 = vector.load %arg9[%swap3A_68, %swap3A_69] : memref<1x256xf32, #tpu.memory_space<vmem>>, vector<1x256xf32>
      tpu.vector_store %arg9[%swap3A_68, %swap3A_69], %add3A_67 {strides = array<i32>} : memref<1x256xf32, #tpu.memory_space<vmem>>, vector<1x256xf32>,
      %get3A_71 = arith.constant 0 : index
      %get3A_72 = arith.constant 0 : index
      %get3A_73 = vector.load %arg10[%get3A_71, %get3A_72] : memref<1x256xf32, #tpu.memory_space<vmem>>, vector<1x256xf32>
      %add3A_74 = arith.addf %get3A_73, %broadcast_in_dim3A_51 : vector<1x256xf32>
      %swap3A_75 = arith.constant 0 : index
      %swap3A_76 = arith.constant 0 : index
      %swap3A_77 = vector.load %arg10[%swap3A_75, %swap3A_76] : memref<1x256xf32, #tpu.memory_space<vmem>>, vector<1x256xf32>
      tpu.vector_store %arg10[%swap3A_75, %swap3A_76], %add3A_74 {strides = array<i32>} : memref<1x256xf32, #tpu.memory_space<vmem>>, vector<1x256xf32>,
    } else {
    }
    %eq3A_59 = arith.constant 43 : i32
    %eq3A_60 = arith.cmpi eq, %arg0, %eq3A_59 : i32
    %convert_element_type3A_61 = arith.extui %eq3A_60 : i1 to i32
    %cond3A_62 = arith.constant 0 : i32
    %cond3A_63 = arith.cmpi ne, %convert_element_type3A_61, %cond3A_62 : i32
    scf.if %cond3A_63 {
      %get3A_64 = arith.constant 0 : index
      %get3A_65 = arith.constant 0 : index
      %get3A_66 = vector.load %arg9[%get3A_64, %get3A_65] : memref<1x256xf32, #tpu.memory_space<vmem>>, vector<1x256xf32>
      %get3A_67 = arith.constant 0 : index
      %get3A_68 = arith.constant 0 : index
      %get3A_69 = vector.load %arg10[%get3A_67, %get3A_68] : memref<1x256xf32, #tpu.memory_space<vmem>>, vector<1x256xf32>
      %broadcast_in_dim3A_70 = arith.constant 0.000000e+00 : f32
      %broadcast_in_dim3A_71 = vector.broadcast %broadcast_in_dim3A_70 : f32 to vector<6x256xf32>
      %concatenate3A = tpu.concatenate %get3A_66, %get3A_69, %broadcast_in_dim3A_71 in 0 : vector<1x256xf32>, vector<1x256xf32>, vector<6x256xf32> -> vector<8x256xf32>
      %swap3A_72 = arith.constant 0 : index
      %swap3A_73 = arith.constant 0 : index
      %swap3A_74 = vector.load %arg8[%swap3A_72, %swap3A_73] : memref<8x256xf32, #tpu.memory_space<vmem>>, vector<8x256xf32>
      tpu.vector_store %arg8[%swap3A_72, %swap3A_73], %concatenate3A {strides = array<i32>} : memref<8x256xf32, #tpu.memory_space<vmem>>, vector<8x256xf32>,
    } else {
    }
    return
  }
  func.func @transform_0(%arg0: i32) -> (i32, i32) {
    %c0_i32 = arith.constant 0 : i32
    %c0_i32_0 = arith.constant 0 : i32
    return %arg0, %c0_i32 : i32, i32
  }
  func.func @transform_1(%arg0: i32) -> (i32, i32) {
    %c0_i32 = arith.constant 0 : i32
    %c0_i32_0 = arith.constant 0 : i32
    %c0_i32_1 = arith.constant 0 : i32
    return %c0_i32, %c0_i32_0 : i32, i32
  }
  func.func @transform_2(%arg0: i32) -> (i32, i32) {
    %c0_i32 = arith.constant 0 : i32
    %c0_i32_0 = arith.constant 0 : i32
    %c0_i32_1 = arith.constant 0 : i32
    return %c0_i32, %c0_i32_0 : i32, i32
  }
  func.func @transform_3(%arg0: i32) -> (i32, i32) {
    %c0_i32 = arith.constant 0 : i32
    %c0_i32_0 = arith.constant 0 : i32
    %c0_i32_1 = arith.constant 0 : i32
    return %c0_i32, %c0_i32_0 : i32, i32
  }
  func.func @transform_4(%arg0: i32) -> (i32, i32) {
    %c0_i32 = arith.constant 0 : i32
    %c0_i32_0 = arith.constant 0 : i32
    %c0_i32_1 = arith.constant 0 : i32
    return %c0_i32, %c0_i32_0 : i32, i32
  }
  func.func @transform_5(%arg0: i32) -> (i32, i32) {
    %c0_i32 = arith.constant 0 : i32
    %c0_i32_0 = arith.constant 0 : i32
    %c0_i32_1 = arith.constant 0 : i32
    return %c0_i32, %c0_i32_0 : i32, i32
  }
  func.func @transform_6(%arg0: i32) -> (i32, i32) {
    %c0_i32 = arith.constant 0 : i32
    %c0_i32_0 = arith.constant 0 : i32
    return %arg0, %c0_i32 : i32, i32
  }
  func.func @transform_7(%arg0: i32) -> (i32, i32) {
    %c0_i32 = arith.constant 0 : i32
    %c0_i32_0 = arith.constant 0 : i32
    %c0_i32_1 = arith.constant 0 : i32
    return %c0_i32, %c0_i32_0 : i32, i32
  }
}

module attributes {stable_mosaic.version = 14 : i64} {
  func.func @body(%arg0: i32, %arg1: memref<2000x128xf32, #tpu.memory_space<vmem>>, %arg2: memref<2000x128xf32, #tpu.memory_space<vmem>>, %arg3: memref<1x5x400xi32, #tpu.memory_space<vmem>>, %arg4: memref<1x5x128xf32, #tpu.memory_space<vmem>>, %arg5: memref<384x256xbf16, #tpu.memory_space<vmem>>, %arg6: memref<1x256xf32, #tpu.memory_space<vmem>>, %arg7: memref<2000x256xbf16, #tpu.memory_space<vmem>>, %arg8: memref<8x256xf32, #tpu.memory_space<vmem>>, %arg9: memref<1xi32, #tpu.memory_space<smem>>, %arg10: memref<1x128xf32, #tpu.memory_space<vmem>>, %arg11: memref<1x256xf32, #tpu.memory_space<vmem>>, %arg12: memref<1x256xf32, #tpu.memory_space<vmem>>) attributes {dimension_semantics = [#tpu.dimension_semantics<arbitrary>], iteration_bounds = array<i64: 220>, scalar_prefetch = 0 : i64, scratch_operands = 4 : i64, tpu.core_type = #tpu.core_type<tc>, window_params = [{transform_indices = @transform_0, window_bounds = array<i64: 2000, 128>}, {transform_indices = @transform_1, window_bounds = array<i64: 2000, 128>}, {transform_indices = @transform_2, window_bounds = array<i64: 1, 5, 400>}, {transform_indices = @transform_3, window_bounds = array<i64: 1, 5, 128>}, {pipeline_mode = #tpu.pipeline_mode<synchronous>, transform_indices = @transform_4, window_bounds = array<i64: 384, 256>}, {pipeline_mode = #tpu.pipeline_mode<synchronous>, transform_indices = @transform_5, window_bounds = array<i64: 1, 256>}, {transform_indices = @transform_6, window_bounds = array<i64: 2000, 256>}, {pipeline_mode = #tpu.pipeline_mode<synchronous>, transform_indices = @transform_7, window_bounds = array<i64: 8, 256>}]} {
    %get3A = arith.constant 0 : index
    %get3A_0 = arith.constant 0 : index
    %get3A_1 = arith.constant 0 : index
    %get3A_2 = vector.load %arg3[%get3A, %get3A_0, %get3A_1] : memref<1x5x400xi32, #tpu.memory_space<vmem>>, vector<1x5x400xi32>
    %get3A_3 = vector.shape_cast %get3A_2 : vector<1x5x400xi32> to vector<5x400xi32>
    %broadcast_in_dim3A = arith.constant 0.000000e+00 : f32
    %broadcast_in_dim3A_4 = vector.broadcast %broadcast_in_dim3A : f32 to vector<1x256xf32>
    %broadcast_in_dim3A_5 = arith.constant 0.000000e+00 : f32
    %broadcast_in_dim3A_6 = vector.broadcast %broadcast_in_dim3A_5 : f32 to vector<1x256xf32>
    %slice3A = vector.extract_strided_slice %get3A_3 {offsets = [4, 0], sizes = [1, 400], strides = [1, 1]} : vector<5x400xi32> to vector<1x400xi32>
    %get3A_7 = arith.constant 1600 : index
    %get3A_8 = arith.constant 0 : index
    %get3A_9 = vector.load %arg2[%get3A_7, %get3A_8] : memref<2000x128xf32, #tpu.memory_space<vmem>>, vector<400x128xf32>
    %convert_element_type3A = arith.truncf %get3A_9 : vector<400x128xf32> to vector<400x128xbf16>
    %slice3A_10 = vector.extract_strided_slice %get3A_3 {offsets = [4, 0], sizes = [1, 1], strides = [1, 1]} : vector<5x400xi32> to vector<1x1xi32>
    %squeeze3A = vector.extract %slice3A_10[0, 0] : i32 from vector<1x1xi32>
    %slice3A_11 = vector.extract_strided_slice %get3A_3 {offsets = [4, 399], sizes = [1, 1], strides = [1, 1]} : vector<5x400xi32> to vector<1x1xi32>
    %squeeze3A_12 = vector.extract %slice3A_11[0, 0] : i32 from vector<1x1xi32>
    %convert_element_type3A_13 = arith.sitofp %slice3A : vector<1x400xi32> to vector<1x400xf32>
    %broadcast_in_dim3A_14 = vector.shape_cast %convert_element_type3A_13 : vector<1x400xf32> to vector<1x400xf32>
    %broadcast_in_dim3A_15 = vector.broadcast %broadcast_in_dim3A_14 : vector<1x400xf32> to vector<400x400xf32>
    %transpose3A = tpu.transpose %broadcast_in_dim3A_15, [1, 0] : vector<400x400xf32> -> vector<400x400xf32>
    %eq3A = arith.cmpf oeq, %broadcast_in_dim3A_15, %transpose3A : vector<400x400xf32>
    %convert_element_type3A_16 = arith.extui %eq3A : vector<400x400xi1> to vector<400x400xi32>
    %convert_element_type3A_17 = arith.sitofp %convert_element_type3A_16 : vector<400x400xi32> to vector<400x400xf32>
    %convert_element_type3A_18 = arith.truncf %convert_element_type3A_17 : vector<400x400xf32> to vector<400x400xbf16>
    %dot_general3A = arith.constant dense<0.000000e+00> : vector<400x128xf32>
    %dot_general3A_19 = tpu.matmul %convert_element_type3A_18, %convert_element_type3A, %dot_general3A {dimension_numbers = #tpu.dot_dimension_numbers<[1], [0], [0], [1], [0, 0, 1, 1], [], []>, transpose_lhs_hint = false} : vector<400x400xbf16>, vector<400x128xbf16>, vector<400x128xf32> -> vector<400x128xf32>
    %slice3A_20 = vector.extract_strided_slice %convert_element_type3A_18 {offsets = [0, 0], sizes = [1, 400], strides = [1, 1]} : vector<400x400xbf16> to vector<1x400xbf16>
    %dot_general3A_21 = arith.constant dense<0.000000e+00> : vector<1x128xf32>
    %dot_general3A_22 = tpu.matmul %slice3A_20, %convert_element_type3A, %dot_general3A_21 {dimension_numbers = #tpu.dot_dimension_numbers<[1], [0], [0], [1], [0, 0, 1, 1], [], []>, transpose_lhs_hint = false} : vector<1x400xbf16>, vector<400x128xbf16>, vector<1x128xf32> -> vector<1x128xf32>
    %gt3A = arith.constant 0 : i32
    %gt3A_23 = arith.cmpi sgt, %arg0, %gt3A : i32
    %or3A = arith.constant false
    %or3A_24 = arith.ori %gt3A_23, %or3A : i1
    %get3A_25 = arith.constant 0 : index
    %get3A_26 = memref.load %arg9[%get3A_25] : memref<1xi32, #tpu.memory_space<smem>>
    %eq3A_27 = arith.cmpi eq, %get3A_26, %squeeze3A_12 : i32
    %and3A = arith.andi %or3A_24, %eq3A_27 : i1
    %get3A_28 = arith.constant 0 : index
    %get3A_29 = arith.constant 0 : index
    %get3A_30 = vector.load %arg10[%get3A_28, %get3A_29] : memref<1x128xf32, #tpu.memory_space<vmem>>, vector<1x128xf32>
    %jit3A = arith.constant 0.000000e+00 : f32
    %broadcast_in_dim3A_31 = vector.broadcast %jit3A : f32 to vector<1x128xf32>
    %select_n3A = arith.select %and3A, %get3A_30, %broadcast_in_dim3A_31 : vector<1x128xf32>
    %get3A_32 = arith.constant 0 : index
    %get3A_33 = arith.constant 4 : index
    %get3A_34 = arith.constant 0 : index
    %get3A_35 = vector.load %arg4[%get3A_32, %get3A_33, %get3A_34] : memref<1x5x128xf32, #tpu.memory_space<vmem>>, vector<1x1x128xf32>
    %get3A_36 = vector.shape_cast %get3A_35 : vector<1x1x128xf32> to vector<1x128xf32>
    %slice3A_37 = vector.extract_strided_slice %convert_element_type3A_18 {offsets = [0, 0], sizes = [400, 1], strides = [1, 1]} : vector<400x400xbf16> to vector<400x1xbf16>
    %convert_element_type3A_38 = arith.extf %slice3A_37 : vector<400x1xbf16> to vector<400x1xf32>
    %slice3A_39 = vector.extract_strided_slice %convert_element_type3A_18 {offsets = [0, 399], sizes = [400, 1], strides = [1, 1]} : vector<400x400xbf16> to vector<400x1xbf16>
    %convert_element_type3A_40 = arith.extf %slice3A_39 : vector<400x1xbf16> to vector<400x1xf32>
    %mul3A = vector.broadcast %convert_element_type3A_38 : vector<400x1xf32> to vector<400x128xf32>
    %mul3A_41 = vector.broadcast %get3A_36 : vector<1x128xf32> to vector<400x128xf32>
    %mul3A_42 = arith.mulf %mul3A, %mul3A_41 : vector<400x128xf32>
    %add3A = arith.addf %dot_general3A_19, %mul3A_42 : vector<400x128xf32>
    %mul3A_43 = vector.broadcast %convert_element_type3A_40 : vector<400x1xf32> to vector<400x128xf32>
    %mul3A_44 = vector.broadcast %select_n3A : vector<1x128xf32> to vector<400x128xf32>
    %mul3A_45 = arith.mulf %mul3A_43, %mul3A_44 : vector<400x128xf32>
    %add3A_46 = arith.addf %add3A, %mul3A_45 : vector<400x128xf32>
    %get3A_47 = arith.constant 1600 : index
    %get3A_48 = arith.constant 0 : index
    %get3A_49 = vector.load %arg1[%get3A_47, %get3A_48] : memref<2000x128xf32, #tpu.memory_space<vmem>>, vector<400x128xf32>
    %concatenate3A = tpu.concatenate %get3A_49, %get3A_9, %add3A_46 in 1 : vector<400x128xf32>, vector<400x128xf32>, vector<400x128xf32> -> vector<400x384xf32>
    %convert_element_type3A_50 = arith.truncf %concatenate3A : vector<400x384xf32> to vector<400x384xbf16>
    %get3A_51 = arith.constant 0 : index
    %get3A_52 = arith.constant 0 : index
    %get3A_53 = vector.load %arg5[%get3A_51, %get3A_52] : memref<384x256xbf16, #tpu.memory_space<vmem>>, vector<384x256xbf16>
    %dot_general3A_54 = arith.constant dense<0.000000e+00> : vector<400x256xf32>
    %dot_general3A_55 = tpu.matmul %convert_element_type3A_50, %get3A_53, %dot_general3A_54 {dimension_numbers = #tpu.dot_dimension_numbers<[1], [0], [0], [1], [0, 0, 1, 1], [], []>, transpose_lhs_hint = false} : vector<400x384xbf16>, vector<384x256xbf16>, vector<400x256xf32> -> vector<400x256xf32>
    %get3A_56 = arith.constant 0 : index
    %get3A_57 = arith.constant 0 : index
    %get3A_58 = vector.load %arg6[%get3A_56, %get3A_57] : memref<1x256xf32, #tpu.memory_space<vmem>>, vector<1x256xf32>
    %add3A_59 = vector.broadcast %get3A_58 : vector<1x256xf32> to vector<400x256xf32>
    %add3A_60 = arith.addf %dot_general3A_55, %add3A_59 : vector<400x256xf32>
    %convert_element_type3A_61 = arith.truncf %add3A_60 : vector<400x256xf32> to vector<400x256xbf16>
    %swap3A = arith.constant 1600 : index
    %swap3A_62 = arith.constant 0 : index
    %swap3A_63 = vector.load %arg7[%swap3A, %swap3A_62] : memref<2000x256xbf16, #tpu.memory_space<vmem>>, vector<400x256xbf16>
    tpu.vector_store %arg7[%swap3A, %swap3A_62], %convert_element_type3A_61 {strides = array<i32>} : memref<2000x256xbf16, #tpu.memory_space<vmem>>, vector<400x256xbf16>,
    %reduce_sum3A = arith.constant dense<0.000000e+00> : vector<256xf32>
    %reduce_sum3A_64 = vector.multi_reduction <add>, %add3A_60, %reduce_sum3A [0] : vector<400x256xf32> to vector<256xf32>
    %broadcast_in_dim3A_65 = vector.shape_cast %reduce_sum3A_64 : vector<256xf32> to vector<1x256xf32>
    %add3A_66 = arith.addf %broadcast_in_dim3A_4, %broadcast_in_dim3A_65 : vector<1x256xf32>
    %mul3A_67 = arith.mulf %add3A_60, %add3A_60 : vector<400x256xf32>
    %reduce_sum3A_68 = arith.constant dense<0.000000e+00> : vector<256xf32>
    %reduce_sum3A_69 = vector.multi_reduction <add>, %mul3A_67, %reduce_sum3A_68 [0] : vector<400x256xf32> to vector<256xf32>
    %broadcast_in_dim3A_70 = vector.shape_cast %reduce_sum3A_69 : vector<256xf32> to vector<1x256xf32>
    %add3A_71 = arith.addf %broadcast_in_dim3A_6, %broadcast_in_dim3A_70 : vector<1x256xf32>
    %eq3A_72 = arith.cmpi eq, %squeeze3A, %squeeze3A_12 : i32
    %jit3A_73 = arith.constant 0.000000e+00 : f32
    %broadcast_in_dim3A_74 = vector.broadcast %jit3A_73 : f32 to vector<1x128xf32>
    %select_n3A_75 = arith.select %eq3A_72, %select_n3A, %broadcast_in_dim3A_74 : vector<1x128xf32>
    %add3A_76 = arith.addf %dot_general3A_22, %select_n3A_75 : vector<1x128xf32>
    %swap3A_77 = arith.constant 0 : index
    %swap3A_78 = arith.constant 0 : index
    %swap3A_79 = vector.load %arg10[%swap3A_77, %swap3A_78] : memref<1x128xf32, #tpu.memory_space<vmem>>, vector<1x128xf32>
    tpu.vector_store %arg10[%swap3A_77, %swap3A_78], %add3A_76 {strides = array<i32>} : memref<1x128xf32, #tpu.memory_space<vmem>>, vector<1x128xf32>,
    %swap3A_80 = arith.constant 0 : index
    %swap3A_81 = memref.load %arg9[%swap3A_80] : memref<1xi32, #tpu.memory_space<smem>>
    memref.store %squeeze3A, %arg9[%swap3A_80] : memref<1xi32, #tpu.memory_space<smem>>
    %slice3A_82 = vector.extract_strided_slice %get3A_3 {offsets = [3, 0], sizes = [1, 400], strides = [1, 1]} : vector<5x400xi32> to vector<1x400xi32>
    %get3A_83 = arith.constant 1200 : index
    %get3A_84 = arith.constant 0 : index
    %get3A_85 = vector.load %arg2[%get3A_83, %get3A_84] : memref<2000x128xf32, #tpu.memory_space<vmem>>, vector<400x128xf32>
    %convert_element_type3A_86 = arith.truncf %get3A_85 : vector<400x128xf32> to vector<400x128xbf16>
    %slice3A_87 = vector.extract_strided_slice %get3A_3 {offsets = [3, 0], sizes = [1, 1], strides = [1, 1]} : vector<5x400xi32> to vector<1x1xi32>
    %squeeze3A_88 = vector.extract %slice3A_87[0, 0] : i32 from vector<1x1xi32>
    %slice3A_89 = vector.extract_strided_slice %get3A_3 {offsets = [3, 399], sizes = [1, 1], strides = [1, 1]} : vector<5x400xi32> to vector<1x1xi32>
    %squeeze3A_90 = vector.extract %slice3A_89[0, 0] : i32 from vector<1x1xi32>
    %convert_element_type3A_91 = arith.sitofp %slice3A_82 : vector<1x400xi32> to vector<1x400xf32>
    %broadcast_in_dim3A_92 = vector.shape_cast %convert_element_type3A_91 : vector<1x400xf32> to vector<1x400xf32>
    %broadcast_in_dim3A_93 = vector.broadcast %broadcast_in_dim3A_92 : vector<1x400xf32> to vector<400x400xf32>
    %transpose3A_94 = tpu.transpose %broadcast_in_dim3A_93, [1, 0] : vector<400x400xf32> -> vector<400x400xf32>
    %eq3A_95 = arith.cmpf oeq, %broadcast_in_dim3A_93, %transpose3A_94 : vector<400x400xf32>
    %convert_element_type3A_96 = arith.extui %eq3A_95 : vector<400x400xi1> to vector<400x400xi32>
    %convert_element_type3A_97 = arith.sitofp %convert_element_type3A_96 : vector<400x400xi32> to vector<400x400xf32>
    %convert_element_type3A_98 = arith.truncf %convert_element_type3A_97 : vector<400x400xf32> to vector<400x400xbf16>
    %dot_general3A_99 = arith.constant dense<0.000000e+00> : vector<400x128xf32>
    %dot_general3A_100 = tpu.matmul %convert_element_type3A_98, %convert_element_type3A_86, %dot_general3A_99 {dimension_numbers = #tpu.dot_dimension_numbers<[1], [0], [0], [1], [0, 0, 1, 1], [], []>, transpose_lhs_hint = false} : vector<400x400xbf16>, vector<400x128xbf16>, vector<400x128xf32> -> vector<400x128xf32>
    %slice3A_101 = vector.extract_strided_slice %convert_element_type3A_98 {offsets = [0, 0], sizes = [1, 400], strides = [1, 1]} : vector<400x400xbf16> to vector<1x400xbf16>
    %dot_general3A_102 = arith.constant dense<0.000000e+00> : vector<1x128xf32>
    %dot_general3A_103 = tpu.matmul %slice3A_101, %convert_element_type3A_86, %dot_general3A_102 {dimension_numbers = #tpu.dot_dimension_numbers<[1], [0], [0], [1], [0, 0, 1, 1], [], []>, transpose_lhs_hint = false} : vector<1x400xbf16>, vector<400x128xbf16>, vector<1x128xf32> -> vector<1x128xf32>
    %gt3A_104 = arith.constant 0 : i32
    %gt3A_105 = arith.cmpi sgt, %arg0, %gt3A_104 : i32
    %or3A_106 = arith.constant true
    %or3A_107 = arith.ori %gt3A_105, %or3A_106 : i1
    %get3A_108 = arith.constant 0 : index
    %get3A_109 = memref.load %arg9[%get3A_108] : memref<1xi32, #tpu.memory_space<smem>>
    %eq3A_110 = arith.cmpi eq, %get3A_109, %squeeze3A_90 : i32
    %and3A_111 = arith.andi %or3A_107, %eq3A_110 : i1
    %get3A_112 = arith.constant 0 : index
    %get3A_113 = arith.constant 0 : index
    %get3A_114 = vector.load %arg10[%get3A_112, %get3A_113] : memref<1x128xf32, #tpu.memory_space<vmem>>, vector<1x128xf32>
    %jit3A_115 = arith.constant 0.000000e+00 : f32
    %broadcast_in_dim3A_116 = vector.broadcast %jit3A_115 : f32 to vector<1x128xf32>
    %select_n3A_117 = arith.select %and3A_111, %get3A_114, %broadcast_in_dim3A_116 : vector<1x128xf32>
    %get3A_118 = arith.constant 0 : index
    %get3A_119 = arith.constant 3 : index
    %get3A_120 = arith.constant 0 : index
    %get3A_121 = vector.load %arg4[%get3A_118, %get3A_119, %get3A_120] : memref<1x5x128xf32, #tpu.memory_space<vmem>>, vector<1x1x128xf32>
    %get3A_122 = vector.shape_cast %get3A_121 : vector<1x1x128xf32> to vector<1x128xf32>
    %slice3A_123 = vector.extract_strided_slice %convert_element_type3A_98 {offsets = [0, 0], sizes = [400, 1], strides = [1, 1]} : vector<400x400xbf16> to vector<400x1xbf16>
    %convert_element_type3A_124 = arith.extf %slice3A_123 : vector<400x1xbf16> to vector<400x1xf32>
    %slice3A_125 = vector.extract_strided_slice %convert_element_type3A_98 {offsets = [0, 399], sizes = [400, 1], strides = [1, 1]} : vector<400x400xbf16> to vector<400x1xbf16>
    %convert_element_type3A_126 = arith.extf %slice3A_125 : vector<400x1xbf16> to vector<400x1xf32>
    %mul3A_127 = vector.broadcast %convert_element_type3A_124 : vector<400x1xf32> to vector<400x128xf32>
    %mul3A_128 = vector.broadcast %get3A_122 : vector<1x128xf32> to vector<400x128xf32>
    %mul3A_129 = arith.mulf %mul3A_127, %mul3A_128 : vector<400x128xf32>
    %add3A_130 = arith.addf %dot_general3A_100, %mul3A_129 : vector<400x128xf32>
    %mul3A_131 = vector.broadcast %convert_element_type3A_126 : vector<400x1xf32> to vector<400x128xf32>
    %mul3A_132 = vector.broadcast %select_n3A_117 : vector<1x128xf32> to vector<400x128xf32>
    %mul3A_133 = arith.mulf %mul3A_131, %mul3A_132 : vector<400x128xf32>
    %add3A_134 = arith.addf %add3A_130, %mul3A_133 : vector<400x128xf32>
    %get3A_135 = arith.constant 1200 : index
    %get3A_136 = arith.constant 0 : index
    %get3A_137 = vector.load %arg1[%get3A_135, %get3A_136] : memref<2000x128xf32, #tpu.memory_space<vmem>>, vector<400x128xf32>
    %concatenate3A_138 = tpu.concatenate %get3A_137, %get3A_85, %add3A_134 in 1 : vector<400x128xf32>, vector<400x128xf32>, vector<400x128xf32> -> vector<400x384xf32>
    %convert_element_type3A_139 = arith.truncf %concatenate3A_138 : vector<400x384xf32> to vector<400x384xbf16>
    %get3A_140 = arith.constant 0 : index
    %get3A_141 = arith.constant 0 : index
    %get3A_142 = vector.load %arg5[%get3A_140, %get3A_141] : memref<384x256xbf16, #tpu.memory_space<vmem>>, vector<384x256xbf16>
    %dot_general3A_143 = arith.constant dense<0.000000e+00> : vector<400x256xf32>
    %dot_general3A_144 = tpu.matmul %convert_element_type3A_139, %get3A_142, %dot_general3A_143 {dimension_numbers = #tpu.dot_dimension_numbers<[1], [0], [0], [1], [0, 0, 1, 1], [], []>, transpose_lhs_hint = false} : vector<400x384xbf16>, vector<384x256xbf16>, vector<400x256xf32> -> vector<400x256xf32>
    %get3A_145 = arith.constant 0 : index
    %get3A_146 = arith.constant 0 : index
    %get3A_147 = vector.load %arg6[%get3A_145, %get3A_146] : memref<1x256xf32, #tpu.memory_space<vmem>>, vector<1x256xf32>
    %add3A_148 = vector.broadcast %get3A_147 : vector<1x256xf32> to vector<400x256xf32>
    %add3A_149 = arith.addf %dot_general3A_144, %add3A_148 : vector<400x256xf32>
    %convert_element_type3A_150 = arith.truncf %add3A_149 : vector<400x256xf32> to vector<400x256xbf16>
    %swap3A_151 = arith.constant 1200 : index
    %swap3A_152 = arith.constant 0 : index
    %swap3A_153 = vector.load %arg7[%swap3A_151, %swap3A_152] : memref<2000x256xbf16, #tpu.memory_space<vmem>>, vector<400x256xbf16>
    tpu.vector_store %arg7[%swap3A_151, %swap3A_152], %convert_element_type3A_150 {strides = array<i32>} : memref<2000x256xbf16, #tpu.memory_space<vmem>>, vector<400x256xbf16>,
    %reduce_sum3A_154 = arith.constant dense<0.000000e+00> : vector<256xf32>
    %reduce_sum3A_155 = vector.multi_reduction <add>, %add3A_149, %reduce_sum3A_154 [0] : vector<400x256xf32> to vector<256xf32>
    %broadcast_in_dim3A_156 = vector.shape_cast %reduce_sum3A_155 : vector<256xf32> to vector<1x256xf32>
    %add3A_157 = arith.addf %add3A_66, %broadcast_in_dim3A_156 : vector<1x256xf32>
    %mul3A_158 = arith.mulf %add3A_149, %add3A_149 : vector<400x256xf32>
    %reduce_sum3A_159 = arith.constant dense<0.000000e+00> : vector<256xf32>
    %reduce_sum3A_160 = vector.multi_reduction <add>, %mul3A_158, %reduce_sum3A_159 [0] : vector<400x256xf32> to vector<256xf32>
    %broadcast_in_dim3A_161 = vector.shape_cast %reduce_sum3A_160 : vector<256xf32> to vector<1x256xf32>
    %add3A_162 = arith.addf %add3A_71, %broadcast_in_dim3A_161 : vector<1x256xf32>
    %eq3A_163 = arith.cmpi eq, %squeeze3A_88, %squeeze3A_90 : i32
    %jit3A_164 = arith.constant 0.000000e+00 : f32
    %broadcast_in_dim3A_165 = vector.broadcast %jit3A_164 : f32 to vector<1x128xf32>
    %select_n3A_166 = arith.select %eq3A_163, %select_n3A_117, %broadcast_in_dim3A_165 : vector<1x128xf32>
    %add3A_167 = arith.addf %dot_general3A_103, %select_n3A_166 : vector<1x128xf32>
    %swap3A_168 = arith.constant 0 : index
    %swap3A_169 = arith.constant 0 : index
    %swap3A_170 = vector.load %arg10[%swap3A_168, %swap3A_169] : memref<1x128xf32, #tpu.memory_space<vmem>>, vector<1x128xf32>
    tpu.vector_store %arg10[%swap3A_168, %swap3A_169], %add3A_167 {strides = array<i32>} : memref<1x128xf32, #tpu.memory_space<vmem>>, vector<1x128xf32>,
    %swap3A_171 = arith.constant 0 : index
    %swap3A_172 = memref.load %arg9[%swap3A_171] : memref<1xi32, #tpu.memory_space<smem>>
    memref.store %squeeze3A_88, %arg9[%swap3A_171] : memref<1xi32, #tpu.memory_space<smem>>
    %slice3A_173 = vector.extract_strided_slice %get3A_3 {offsets = [2, 0], sizes = [1, 400], strides = [1, 1]} : vector<5x400xi32> to vector<1x400xi32>
    %get3A_174 = arith.constant 800 : index
    %get3A_175 = arith.constant 0 : index
    %get3A_176 = vector.load %arg2[%get3A_174, %get3A_175] : memref<2000x128xf32, #tpu.memory_space<vmem>>, vector<400x128xf32>
    %convert_element_type3A_177 = arith.truncf %get3A_176 : vector<400x128xf32> to vector<400x128xbf16>
    %slice3A_178 = vector.extract_strided_slice %get3A_3 {offsets = [2, 0], sizes = [1, 1], strides = [1, 1]} : vector<5x400xi32> to vector<1x1xi32>
    %squeeze3A_179 = vector.extract %slice3A_178[0, 0] : i32 from vector<1x1xi32>
    %slice3A_180 = vector.extract_strided_slice %get3A_3 {offsets = [2, 399], sizes = [1, 1], strides = [1, 1]} : vector<5x400xi32> to vector<1x1xi32>
    %squeeze3A_181 = vector.extract %slice3A_180[0, 0] : i32 from vector<1x1xi32>
    %convert_element_type3A_182 = arith.sitofp %slice3A_173 : vector<1x400xi32> to vector<1x400xf32>
    %broadcast_in_dim3A_183 = vector.shape_cast %convert_element_type3A_182 : vector<1x400xf32> to vector<1x400xf32>
    %broadcast_in_dim3A_184 = vector.broadcast %broadcast_in_dim3A_183 : vector<1x400xf32> to vector<400x400xf32>
    %transpose3A_185 = tpu.transpose %broadcast_in_dim3A_184, [1, 0] : vector<400x400xf32> -> vector<400x400xf32>
    %eq3A_186 = arith.cmpf oeq, %broadcast_in_dim3A_184, %transpose3A_185 : vector<400x400xf32>
    %convert_element_type3A_187 = arith.extui %eq3A_186 : vector<400x400xi1> to vector<400x400xi32>
    %convert_element_type3A_188 = arith.sitofp %convert_element_type3A_187 : vector<400x400xi32> to vector<400x400xf32>
    %convert_element_type3A_189 = arith.truncf %convert_element_type3A_188 : vector<400x400xf32> to vector<400x400xbf16>
    %dot_general3A_190 = arith.constant dense<0.000000e+00> : vector<400x128xf32>
    %dot_general3A_191 = tpu.matmul %convert_element_type3A_189, %convert_element_type3A_177, %dot_general3A_190 {dimension_numbers = #tpu.dot_dimension_numbers<[1], [0], [0], [1], [0, 0, 1, 1], [], []>, transpose_lhs_hint = false} : vector<400x400xbf16>, vector<400x128xbf16>, vector<400x128xf32> -> vector<400x128xf32>
    %slice3A_192 = vector.extract_strided_slice %convert_element_type3A_189 {offsets = [0, 0], sizes = [1, 400], strides = [1, 1]} : vector<400x400xbf16> to vector<1x400xbf16>
    %dot_general3A_193 = arith.constant dense<0.000000e+00> : vector<1x128xf32>
    %dot_general3A_194 = tpu.matmul %slice3A_192, %convert_element_type3A_177, %dot_general3A_193 {dimension_numbers = #tpu.dot_dimension_numbers<[1], [0], [0], [1], [0, 0, 1, 1], [], []>, transpose_lhs_hint = false} : vector<1x400xbf16>, vector<400x128xbf16>, vector<1x128xf32> -> vector<1x128xf32>
    %gt3A_195 = arith.constant 0 : i32
    %gt3A_196 = arith.cmpi sgt, %arg0, %gt3A_195 : i32
    %or3A_197 = arith.constant true
    %or3A_198 = arith.ori %gt3A_196, %or3A_197 : i1
    %get3A_199 = arith.constant 0 : index
    %get3A_200 = memref.load %arg9[%get3A_199] : memref<1xi32, #tpu.memory_space<smem>>
    %eq3A_201 = arith.cmpi eq, %get3A_200, %squeeze3A_181 : i32
    %and3A_202 = arith.andi %or3A_198, %eq3A_201 : i1
    %get3A_203 = arith.constant 0 : index
    %get3A_204 = arith.constant 0 : index
    %get3A_205 = vector.load %arg10[%get3A_203, %get3A_204] : memref<1x128xf32, #tpu.memory_space<vmem>>, vector<1x128xf32>
    %jit3A_206 = arith.constant 0.000000e+00 : f32
    %broadcast_in_dim3A_207 = vector.broadcast %jit3A_206 : f32 to vector<1x128xf32>
    %select_n3A_208 = arith.select %and3A_202, %get3A_205, %broadcast_in_dim3A_207 : vector<1x128xf32>
    %get3A_209 = arith.constant 0 : index
    %get3A_210 = arith.constant 2 : index
    %get3A_211 = arith.constant 0 : index
    %get3A_212 = vector.load %arg4[%get3A_209, %get3A_210, %get3A_211] : memref<1x5x128xf32, #tpu.memory_space<vmem>>, vector<1x1x128xf32>
    %get3A_213 = vector.shape_cast %get3A_212 : vector<1x1x128xf32> to vector<1x128xf32>
    %slice3A_214 = vector.extract_strided_slice %convert_element_type3A_189 {offsets = [0, 0], sizes = [400, 1], strides = [1, 1]} : vector<400x400xbf16> to vector<400x1xbf16>
    %convert_element_type3A_215 = arith.extf %slice3A_214 : vector<400x1xbf16> to vector<400x1xf32>
    %slice3A_216 = vector.extract_strided_slice %convert_element_type3A_189 {offsets = [0, 399], sizes = [400, 1], strides = [1, 1]} : vector<400x400xbf16> to vector<400x1xbf16>
    %convert_element_type3A_217 = arith.extf %slice3A_216 : vector<400x1xbf16> to vector<400x1xf32>
    %mul3A_218 = vector.broadcast %convert_element_type3A_215 : vector<400x1xf32> to vector<400x128xf32>
    %mul3A_219 = vector.broadcast %get3A_213 : vector<1x128xf32> to vector<400x128xf32>
    %mul3A_220 = arith.mulf %mul3A_218, %mul3A_219 : vector<400x128xf32>
    %add3A_221 = arith.addf %dot_general3A_191, %mul3A_220 : vector<400x128xf32>
    %mul3A_222 = vector.broadcast %convert_element_type3A_217 : vector<400x1xf32> to vector<400x128xf32>
    %mul3A_223 = vector.broadcast %select_n3A_208 : vector<1x128xf32> to vector<400x128xf32>
    %mul3A_224 = arith.mulf %mul3A_222, %mul3A_223 : vector<400x128xf32>
    %add3A_225 = arith.addf %add3A_221, %mul3A_224 : vector<400x128xf32>
    %get3A_226 = arith.constant 800 : index
    %get3A_227 = arith.constant 0 : index
    %get3A_228 = vector.load %arg1[%get3A_226, %get3A_227] : memref<2000x128xf32, #tpu.memory_space<vmem>>, vector<400x128xf32>
    %concatenate3A_229 = tpu.concatenate %get3A_228, %get3A_176, %add3A_225 in 1 : vector<400x128xf32>, vector<400x128xf32>, vector<400x128xf32> -> vector<400x384xf32>
    %convert_element_type3A_230 = arith.truncf %concatenate3A_229 : vector<400x384xf32> to vector<400x384xbf16>
    %get3A_231 = arith.constant 0 : index
    %get3A_232 = arith.constant 0 : index
    %get3A_233 = vector.load %arg5[%get3A_231, %get3A_232] : memref<384x256xbf16, #tpu.memory_space<vmem>>, vector<384x256xbf16>
    %dot_general3A_234 = arith.constant dense<0.000000e+00> : vector<400x256xf32>
    %dot_general3A_235 = tpu.matmul %convert_element_type3A_230, %get3A_233, %dot_general3A_234 {dimension_numbers = #tpu.dot_dimension_numbers<[1], [0], [0], [1], [0, 0, 1, 1], [], []>, transpose_lhs_hint = false} : vector<400x384xbf16>, vector<384x256xbf16>, vector<400x256xf32> -> vector<400x256xf32>
    %get3A_236 = arith.constant 0 : index
    %get3A_237 = arith.constant 0 : index
    %get3A_238 = vector.load %arg6[%get3A_236, %get3A_237] : memref<1x256xf32, #tpu.memory_space<vmem>>, vector<1x256xf32>
    %add3A_239 = vector.broadcast %get3A_238 : vector<1x256xf32> to vector<400x256xf32>
    %add3A_240 = arith.addf %dot_general3A_235, %add3A_239 : vector<400x256xf32>
    %convert_element_type3A_241 = arith.truncf %add3A_240 : vector<400x256xf32> to vector<400x256xbf16>
    %swap3A_242 = arith.constant 800 : index
    %swap3A_243 = arith.constant 0 : index
    %swap3A_244 = vector.load %arg7[%swap3A_242, %swap3A_243] : memref<2000x256xbf16, #tpu.memory_space<vmem>>, vector<400x256xbf16>
    tpu.vector_store %arg7[%swap3A_242, %swap3A_243], %convert_element_type3A_241 {strides = array<i32>} : memref<2000x256xbf16, #tpu.memory_space<vmem>>, vector<400x256xbf16>,
    %reduce_sum3A_245 = arith.constant dense<0.000000e+00> : vector<256xf32>
    %reduce_sum3A_246 = vector.multi_reduction <add>, %add3A_240, %reduce_sum3A_245 [0] : vector<400x256xf32> to vector<256xf32>
    %broadcast_in_dim3A_247 = vector.shape_cast %reduce_sum3A_246 : vector<256xf32> to vector<1x256xf32>
    %add3A_248 = arith.addf %add3A_157, %broadcast_in_dim3A_247 : vector<1x256xf32>
    %mul3A_249 = arith.mulf %add3A_240, %add3A_240 : vector<400x256xf32>
    %reduce_sum3A_250 = arith.constant dense<0.000000e+00> : vector<256xf32>
    %reduce_sum3A_251 = vector.multi_reduction <add>, %mul3A_249, %reduce_sum3A_250 [0] : vector<400x256xf32> to vector<256xf32>
    %broadcast_in_dim3A_252 = vector.shape_cast %reduce_sum3A_251 : vector<256xf32> to vector<1x256xf32>
    %add3A_253 = arith.addf %add3A_162, %broadcast_in_dim3A_252 : vector<1x256xf32>
    %eq3A_254 = arith.cmpi eq, %squeeze3A_179, %squeeze3A_181 : i32
    %jit3A_255 = arith.constant 0.000000e+00 : f32
    %broadcast_in_dim3A_256 = vector.broadcast %jit3A_255 : f32 to vector<1x128xf32>
    %select_n3A_257 = arith.select %eq3A_254, %select_n3A_208, %broadcast_in_dim3A_256 : vector<1x128xf32>
    %add3A_258 = arith.addf %dot_general3A_194, %select_n3A_257 : vector<1x128xf32>
    %swap3A_259 = arith.constant 0 : index
    %swap3A_260 = arith.constant 0 : index
    %swap3A_261 = vector.load %arg10[%swap3A_259, %swap3A_260] : memref<1x128xf32, #tpu.memory_space<vmem>>, vector<1x128xf32>
    tpu.vector_store %arg10[%swap3A_259, %swap3A_260], %add3A_258 {strides = array<i32>} : memref<1x128xf32, #tpu.memory_space<vmem>>, vector<1x128xf32>,
    %swap3A_262 = arith.constant 0 : index
    %swap3A_263 = memref.load %arg9[%swap3A_262] : memref<1xi32, #tpu.memory_space<smem>>
    memref.store %squeeze3A_179, %arg9[%swap3A_262] : memref<1xi32, #tpu.memory_space<smem>>
    %slice3A_264 = vector.extract_strided_slice %get3A_3 {offsets = [1, 0], sizes = [1, 400], strides = [1, 1]} : vector<5x400xi32> to vector<1x400xi32>
    %get3A_265 = arith.constant 400 : index
    %get3A_266 = arith.constant 0 : index
    %get3A_267 = vector.load %arg2[%get3A_265, %get3A_266] : memref<2000x128xf32, #tpu.memory_space<vmem>>, vector<400x128xf32>
    %convert_element_type3A_268 = arith.truncf %get3A_267 : vector<400x128xf32> to vector<400x128xbf16>
    %slice3A_269 = vector.extract_strided_slice %get3A_3 {offsets = [1, 0], sizes = [1, 1], strides = [1, 1]} : vector<5x400xi32> to vector<1x1xi32>
    %squeeze3A_270 = vector.extract %slice3A_269[0, 0] : i32 from vector<1x1xi32>
    %slice3A_271 = vector.extract_strided_slice %get3A_3 {offsets = [1, 399], sizes = [1, 1], strides = [1, 1]} : vector<5x400xi32> to vector<1x1xi32>
    %squeeze3A_272 = vector.extract %slice3A_271[0, 0] : i32 from vector<1x1xi32>
    %convert_element_type3A_273 = arith.sitofp %slice3A_264 : vector<1x400xi32> to vector<1x400xf32>
    %broadcast_in_dim3A_274 = vector.shape_cast %convert_element_type3A_273 : vector<1x400xf32> to vector<1x400xf32>
    %broadcast_in_dim3A_275 = vector.broadcast %broadcast_in_dim3A_274 : vector<1x400xf32> to vector<400x400xf32>
    %transpose3A_276 = tpu.transpose %broadcast_in_dim3A_275, [1, 0] : vector<400x400xf32> -> vector<400x400xf32>
    %eq3A_277 = arith.cmpf oeq, %broadcast_in_dim3A_275, %transpose3A_276 : vector<400x400xf32>
    %convert_element_type3A_278 = arith.extui %eq3A_277 : vector<400x400xi1> to vector<400x400xi32>
    %convert_element_type3A_279 = arith.sitofp %convert_element_type3A_278 : vector<400x400xi32> to vector<400x400xf32>
    %convert_element_type3A_280 = arith.truncf %convert_element_type3A_279 : vector<400x400xf32> to vector<400x400xbf16>
    %dot_general3A_281 = arith.constant dense<0.000000e+00> : vector<400x128xf32>
    %dot_general3A_282 = tpu.matmul %convert_element_type3A_280, %convert_element_type3A_268, %dot_general3A_281 {dimension_numbers = #tpu.dot_dimension_numbers<[1], [0], [0], [1], [0, 0, 1, 1], [], []>, transpose_lhs_hint = false} : vector<400x400xbf16>, vector<400x128xbf16>, vector<400x128xf32> -> vector<400x128xf32>
    %slice3A_283 = vector.extract_strided_slice %convert_element_type3A_280 {offsets = [0, 0], sizes = [1, 400], strides = [1, 1]} : vector<400x400xbf16> to vector<1x400xbf16>
    %dot_general3A_284 = arith.constant dense<0.000000e+00> : vector<1x128xf32>
    %dot_general3A_285 = tpu.matmul %slice3A_283, %convert_element_type3A_268, %dot_general3A_284 {dimension_numbers = #tpu.dot_dimension_numbers<[1], [0], [0], [1], [0, 0, 1, 1], [], []>, transpose_lhs_hint = false} : vector<1x400xbf16>, vector<400x128xbf16>, vector<1x128xf32> -> vector<1x128xf32>
    %gt3A_286 = arith.constant 0 : i32
    %gt3A_287 = arith.cmpi sgt, %arg0, %gt3A_286 : i32
    %or3A_288 = arith.constant true
    %or3A_289 = arith.ori %gt3A_287, %or3A_288 : i1
    %get3A_290 = arith.constant 0 : index
    %get3A_291 = memref.load %arg9[%get3A_290] : memref<1xi32, #tpu.memory_space<smem>>
    %eq3A_292 = arith.cmpi eq, %get3A_291, %squeeze3A_272 : i32
    %and3A_293 = arith.andi %or3A_289, %eq3A_292 : i1
    %get3A_294 = arith.constant 0 : index
    %get3A_295 = arith.constant 0 : index
    %get3A_296 = vector.load %arg10[%get3A_294, %get3A_295] : memref<1x128xf32, #tpu.memory_space<vmem>>, vector<1x128xf32>
    %jit3A_297 = arith.constant 0.000000e+00 : f32
    %broadcast_in_dim3A_298 = vector.broadcast %jit3A_297 : f32 to vector<1x128xf32>
    %select_n3A_299 = arith.select %and3A_293, %get3A_296, %broadcast_in_dim3A_298 : vector<1x128xf32>
    %get3A_300 = arith.constant 0 : index
    %get3A_301 = arith.constant 1 : index
    %get3A_302 = arith.constant 0 : index
    %get3A_303 = vector.load %arg4[%get3A_300, %get3A_301, %get3A_302] : memref<1x5x128xf32, #tpu.memory_space<vmem>>, vector<1x1x128xf32>
    %get3A_304 = vector.shape_cast %get3A_303 : vector<1x1x128xf32> to vector<1x128xf32>
    %slice3A_305 = vector.extract_strided_slice %convert_element_type3A_280 {offsets = [0, 0], sizes = [400, 1], strides = [1, 1]} : vector<400x400xbf16> to vector<400x1xbf16>
    %convert_element_type3A_306 = arith.extf %slice3A_305 : vector<400x1xbf16> to vector<400x1xf32>
    %slice3A_307 = vector.extract_strided_slice %convert_element_type3A_280 {offsets = [0, 399], sizes = [400, 1], strides = [1, 1]} : vector<400x400xbf16> to vector<400x1xbf16>
    %convert_element_type3A_308 = arith.extf %slice3A_307 : vector<400x1xbf16> to vector<400x1xf32>
    %mul3A_309 = vector.broadcast %convert_element_type3A_306 : vector<400x1xf32> to vector<400x128xf32>
    %mul3A_310 = vector.broadcast %get3A_304 : vector<1x128xf32> to vector<400x128xf32>
    %mul3A_311 = arith.mulf %mul3A_309, %mul3A_310 : vector<400x128xf32>
    %add3A_312 = arith.addf %dot_general3A_282, %mul3A_311 : vector<400x128xf32>
    %mul3A_313 = vector.broadcast %convert_element_type3A_308 : vector<400x1xf32> to vector<400x128xf32>
    %mul3A_314 = vector.broadcast %select_n3A_299 : vector<1x128xf32> to vector<400x128xf32>
    %mul3A_315 = arith.mulf %mul3A_313, %mul3A_314 : vector<400x128xf32>
    %add3A_316 = arith.addf %add3A_312, %mul3A_315 : vector<400x128xf32>
    %get3A_317 = arith.constant 400 : index
    %get3A_318 = arith.constant 0 : index
    %get3A_319 = vector.load %arg1[%get3A_317, %get3A_318] : memref<2000x128xf32, #tpu.memory_space<vmem>>, vector<400x128xf32>
    %concatenate3A_320 = tpu.concatenate %get3A_319, %get3A_267, %add3A_316 in 1 : vector<400x128xf32>, vector<400x128xf32>, vector<400x128xf32> -> vector<400x384xf32>
    %convert_element_type3A_321 = arith.truncf %concatenate3A_320 : vector<400x384xf32> to vector<400x384xbf16>
    %get3A_322 = arith.constant 0 : index
    %get3A_323 = arith.constant 0 : index
    %get3A_324 = vector.load %arg5[%get3A_322, %get3A_323] : memref<384x256xbf16, #tpu.memory_space<vmem>>, vector<384x256xbf16>
    %dot_general3A_325 = arith.constant dense<0.000000e+00> : vector<400x256xf32>
    %dot_general3A_326 = tpu.matmul %convert_element_type3A_321, %get3A_324, %dot_general3A_325 {dimension_numbers = #tpu.dot_dimension_numbers<[1], [0], [0], [1], [0, 0, 1, 1], [], []>, transpose_lhs_hint = false} : vector<400x384xbf16>, vector<384x256xbf16>, vector<400x256xf32> -> vector<400x256xf32>
    %get3A_327 = arith.constant 0 : index
    %get3A_328 = arith.constant 0 : index
    %get3A_329 = vector.load %arg6[%get3A_327, %get3A_328] : memref<1x256xf32, #tpu.memory_space<vmem>>, vector<1x256xf32>
    %add3A_330 = vector.broadcast %get3A_329 : vector<1x256xf32> to vector<400x256xf32>
    %add3A_331 = arith.addf %dot_general3A_326, %add3A_330 : vector<400x256xf32>
    %convert_element_type3A_332 = arith.truncf %add3A_331 : vector<400x256xf32> to vector<400x256xbf16>
    %swap3A_333 = arith.constant 400 : index
    %swap3A_334 = arith.constant 0 : index
    %swap3A_335 = vector.load %arg7[%swap3A_333, %swap3A_334] : memref<2000x256xbf16, #tpu.memory_space<vmem>>, vector<400x256xbf16>
    tpu.vector_store %arg7[%swap3A_333, %swap3A_334], %convert_element_type3A_332 {strides = array<i32>} : memref<2000x256xbf16, #tpu.memory_space<vmem>>, vector<400x256xbf16>,
    %reduce_sum3A_336 = arith.constant dense<0.000000e+00> : vector<256xf32>
    %reduce_sum3A_337 = vector.multi_reduction <add>, %add3A_331, %reduce_sum3A_336 [0] : vector<400x256xf32> to vector<256xf32>
    %broadcast_in_dim3A_338 = vector.shape_cast %reduce_sum3A_337 : vector<256xf32> to vector<1x256xf32>
    %add3A_339 = arith.addf %add3A_248, %broadcast_in_dim3A_338 : vector<1x256xf32>
    %mul3A_340 = arith.mulf %add3A_331, %add3A_331 : vector<400x256xf32>
    %reduce_sum3A_341 = arith.constant dense<0.000000e+00> : vector<256xf32>
    %reduce_sum3A_342 = vector.multi_reduction <add>, %mul3A_340, %reduce_sum3A_341 [0] : vector<400x256xf32> to vector<256xf32>
    %broadcast_in_dim3A_343 = vector.shape_cast %reduce_sum3A_342 : vector<256xf32> to vector<1x256xf32>
    %add3A_344 = arith.addf %add3A_253, %broadcast_in_dim3A_343 : vector<1x256xf32>
    %eq3A_345 = arith.cmpi eq, %squeeze3A_270, %squeeze3A_272 : i32
    %jit3A_346 = arith.constant 0.000000e+00 : f32
    %broadcast_in_dim3A_347 = vector.broadcast %jit3A_346 : f32 to vector<1x128xf32>
    %select_n3A_348 = arith.select %eq3A_345, %select_n3A_299, %broadcast_in_dim3A_347 : vector<1x128xf32>
    %add3A_349 = arith.addf %dot_general3A_285, %select_n3A_348 : vector<1x128xf32>
    %swap3A_350 = arith.constant 0 : index
    %swap3A_351 = arith.constant 0 : index
    %swap3A_352 = vector.load %arg10[%swap3A_350, %swap3A_351] : memref<1x128xf32, #tpu.memory_space<vmem>>, vector<1x128xf32>
    tpu.vector_store %arg10[%swap3A_350, %swap3A_351], %add3A_349 {strides = array<i32>} : memref<1x128xf32, #tpu.memory_space<vmem>>, vector<1x128xf32>,
    %swap3A_353 = arith.constant 0 : index
    %swap3A_354 = memref.load %arg9[%swap3A_353] : memref<1xi32, #tpu.memory_space<smem>>
    memref.store %squeeze3A_270, %arg9[%swap3A_353] : memref<1xi32, #tpu.memory_space<smem>>
    %slice3A_355 = vector.extract_strided_slice %get3A_3 {offsets = [0, 0], sizes = [1, 400], strides = [1, 1]} : vector<5x400xi32> to vector<1x400xi32>
    %get3A_356 = arith.constant 0 : index
    %get3A_357 = arith.constant 0 : index
    %get3A_358 = vector.load %arg2[%get3A_356, %get3A_357] : memref<2000x128xf32, #tpu.memory_space<vmem>>, vector<400x128xf32>
    %convert_element_type3A_359 = arith.truncf %get3A_358 : vector<400x128xf32> to vector<400x128xbf16>
    %slice3A_360 = vector.extract_strided_slice %get3A_3 {offsets = [0, 0], sizes = [1, 1], strides = [1, 1]} : vector<5x400xi32> to vector<1x1xi32>
    %squeeze3A_361 = vector.extract %slice3A_360[0, 0] : i32 from vector<1x1xi32>
    %slice3A_362 = vector.extract_strided_slice %get3A_3 {offsets = [0, 399], sizes = [1, 1], strides = [1, 1]} : vector<5x400xi32> to vector<1x1xi32>
    %squeeze3A_363 = vector.extract %slice3A_362[0, 0] : i32 from vector<1x1xi32>
    %convert_element_type3A_364 = arith.sitofp %slice3A_355 : vector<1x400xi32> to vector<1x400xf32>
    %broadcast_in_dim3A_365 = vector.shape_cast %convert_element_type3A_364 : vector<1x400xf32> to vector<1x400xf32>
    %broadcast_in_dim3A_366 = vector.broadcast %broadcast_in_dim3A_365 : vector<1x400xf32> to vector<400x400xf32>
    %transpose3A_367 = tpu.transpose %broadcast_in_dim3A_366, [1, 0] : vector<400x400xf32> -> vector<400x400xf32>
    %eq3A_368 = arith.cmpf oeq, %broadcast_in_dim3A_366, %transpose3A_367 : vector<400x400xf32>
    %convert_element_type3A_369 = arith.extui %eq3A_368 : vector<400x400xi1> to vector<400x400xi32>
    %convert_element_type3A_370 = arith.sitofp %convert_element_type3A_369 : vector<400x400xi32> to vector<400x400xf32>
    %convert_element_type3A_371 = arith.truncf %convert_element_type3A_370 : vector<400x400xf32> to vector<400x400xbf16>
    %dot_general3A_372 = arith.constant dense<0.000000e+00> : vector<400x128xf32>
    %dot_general3A_373 = tpu.matmul %convert_element_type3A_371, %convert_element_type3A_359, %dot_general3A_372 {dimension_numbers = #tpu.dot_dimension_numbers<[1], [0], [0], [1], [0, 0, 1, 1], [], []>, transpose_lhs_hint = false} : vector<400x400xbf16>, vector<400x128xbf16>, vector<400x128xf32> -> vector<400x128xf32>
    %slice3A_374 = vector.extract_strided_slice %convert_element_type3A_371 {offsets = [0, 0], sizes = [1, 400], strides = [1, 1]} : vector<400x400xbf16> to vector<1x400xbf16>
    %dot_general3A_375 = arith.constant dense<0.000000e+00> : vector<1x128xf32>
    %dot_general3A_376 = tpu.matmul %slice3A_374, %convert_element_type3A_359, %dot_general3A_375 {dimension_numbers = #tpu.dot_dimension_numbers<[1], [0], [0], [1], [0, 0, 1, 1], [], []>, transpose_lhs_hint = false} : vector<1x400xbf16>, vector<400x128xbf16>, vector<1x128xf32> -> vector<1x128xf32>
    %gt3A_377 = arith.constant 0 : i32
    %gt3A_378 = arith.cmpi sgt, %arg0, %gt3A_377 : i32
    %or3A_379 = arith.constant true
    %or3A_380 = arith.ori %gt3A_378, %or3A_379 : i1
    %get3A_381 = arith.constant 0 : index
    %get3A_382 = memref.load %arg9[%get3A_381] : memref<1xi32, #tpu.memory_space<smem>>
    %eq3A_383 = arith.cmpi eq, %get3A_382, %squeeze3A_363 : i32
    %and3A_384 = arith.andi %or3A_380, %eq3A_383 : i1
    %get3A_385 = arith.constant 0 : index
    %get3A_386 = arith.constant 0 : index
    %get3A_387 = vector.load %arg10[%get3A_385, %get3A_386] : memref<1x128xf32, #tpu.memory_space<vmem>>, vector<1x128xf32>
    %jit3A_388 = arith.constant 0.000000e+00 : f32
    %broadcast_in_dim3A_389 = vector.broadcast %jit3A_388 : f32 to vector<1x128xf32>
    %select_n3A_390 = arith.select %and3A_384, %get3A_387, %broadcast_in_dim3A_389 : vector<1x128xf32>
    %get3A_391 = arith.constant 0 : index
    %get3A_392 = arith.constant 0 : index
    %get3A_393 = arith.constant 0 : index
    %get3A_394 = vector.load %arg4[%get3A_391, %get3A_392, %get3A_393] : memref<1x5x128xf32, #tpu.memory_space<vmem>>, vector<1x1x128xf32>
    %get3A_395 = vector.shape_cast %get3A_394 : vector<1x1x128xf32> to vector<1x128xf32>
    %slice3A_396 = vector.extract_strided_slice %convert_element_type3A_371 {offsets = [0, 0], sizes = [400, 1], strides = [1, 1]} : vector<400x400xbf16> to vector<400x1xbf16>
    %convert_element_type3A_397 = arith.extf %slice3A_396 : vector<400x1xbf16> to vector<400x1xf32>
    %slice3A_398 = vector.extract_strided_slice %convert_element_type3A_371 {offsets = [0, 399], sizes = [400, 1], strides = [1, 1]} : vector<400x400xbf16> to vector<400x1xbf16>
    %convert_element_type3A_399 = arith.extf %slice3A_398 : vector<400x1xbf16> to vector<400x1xf32>
    %mul3A_400 = vector.broadcast %convert_element_type3A_397 : vector<400x1xf32> to vector<400x128xf32>
    %mul3A_401 = vector.broadcast %get3A_395 : vector<1x128xf32> to vector<400x128xf32>
    %mul3A_402 = arith.mulf %mul3A_400, %mul3A_401 : vector<400x128xf32>
    %add3A_403 = arith.addf %dot_general3A_373, %mul3A_402 : vector<400x128xf32>
    %mul3A_404 = vector.broadcast %convert_element_type3A_399 : vector<400x1xf32> to vector<400x128xf32>
    %mul3A_405 = vector.broadcast %select_n3A_390 : vector<1x128xf32> to vector<400x128xf32>
    %mul3A_406 = arith.mulf %mul3A_404, %mul3A_405 : vector<400x128xf32>
    %add3A_407 = arith.addf %add3A_403, %mul3A_406 : vector<400x128xf32>
    %get3A_408 = arith.constant 0 : index
    %get3A_409 = arith.constant 0 : index
    %get3A_410 = vector.load %arg1[%get3A_408, %get3A_409] : memref<2000x128xf32, #tpu.memory_space<vmem>>, vector<400x128xf32>
    %concatenate3A_411 = tpu.concatenate %get3A_410, %get3A_358, %add3A_407 in 1 : vector<400x128xf32>, vector<400x128xf32>, vector<400x128xf32> -> vector<400x384xf32>
    %convert_element_type3A_412 = arith.truncf %concatenate3A_411 : vector<400x384xf32> to vector<400x384xbf16>
    %get3A_413 = arith.constant 0 : index
    %get3A_414 = arith.constant 0 : index
    %get3A_415 = vector.load %arg5[%get3A_413, %get3A_414] : memref<384x256xbf16, #tpu.memory_space<vmem>>, vector<384x256xbf16>
    %dot_general3A_416 = arith.constant dense<0.000000e+00> : vector<400x256xf32>
    %dot_general3A_417 = tpu.matmul %convert_element_type3A_412, %get3A_415, %dot_general3A_416 {dimension_numbers = #tpu.dot_dimension_numbers<[1], [0], [0], [1], [0, 0, 1, 1], [], []>, transpose_lhs_hint = false} : vector<400x384xbf16>, vector<384x256xbf16>, vector<400x256xf32> -> vector<400x256xf32>
    %get3A_418 = arith.constant 0 : index
    %get3A_419 = arith.constant 0 : index
    %get3A_420 = vector.load %arg6[%get3A_418, %get3A_419] : memref<1x256xf32, #tpu.memory_space<vmem>>, vector<1x256xf32>
    %add3A_421 = vector.broadcast %get3A_420 : vector<1x256xf32> to vector<400x256xf32>
    %add3A_422 = arith.addf %dot_general3A_417, %add3A_421 : vector<400x256xf32>
    %convert_element_type3A_423 = arith.truncf %add3A_422 : vector<400x256xf32> to vector<400x256xbf16>
    %swap3A_424 = arith.constant 0 : index
    %swap3A_425 = arith.constant 0 : index
    %swap3A_426 = vector.load %arg7[%swap3A_424, %swap3A_425] : memref<2000x256xbf16, #tpu.memory_space<vmem>>, vector<400x256xbf16>
    tpu.vector_store %arg7[%swap3A_424, %swap3A_425], %convert_element_type3A_423 {strides = array<i32>} : memref<2000x256xbf16, #tpu.memory_space<vmem>>, vector<400x256xbf16>,
    %reduce_sum3A_427 = arith.constant dense<0.000000e+00> : vector<256xf32>
    %reduce_sum3A_428 = vector.multi_reduction <add>, %add3A_422, %reduce_sum3A_427 [0] : vector<400x256xf32> to vector<256xf32>
    %broadcast_in_dim3A_429 = vector.shape_cast %reduce_sum3A_428 : vector<256xf32> to vector<1x256xf32>
    %add3A_430 = arith.addf %add3A_339, %broadcast_in_dim3A_429 : vector<1x256xf32>
    %mul3A_431 = arith.mulf %add3A_422, %add3A_422 : vector<400x256xf32>
    %reduce_sum3A_432 = arith.constant dense<0.000000e+00> : vector<256xf32>
    %reduce_sum3A_433 = vector.multi_reduction <add>, %mul3A_431, %reduce_sum3A_432 [0] : vector<400x256xf32> to vector<256xf32>
    %broadcast_in_dim3A_434 = vector.shape_cast %reduce_sum3A_433 : vector<256xf32> to vector<1x256xf32>
    %add3A_435 = arith.addf %add3A_344, %broadcast_in_dim3A_434 : vector<1x256xf32>
    %eq3A_436 = arith.cmpi eq, %squeeze3A_361, %squeeze3A_363 : i32
    %jit3A_437 = arith.constant 0.000000e+00 : f32
    %broadcast_in_dim3A_438 = vector.broadcast %jit3A_437 : f32 to vector<1x128xf32>
    %select_n3A_439 = arith.select %eq3A_436, %select_n3A_390, %broadcast_in_dim3A_438 : vector<1x128xf32>
    %add3A_440 = arith.addf %dot_general3A_376, %select_n3A_439 : vector<1x128xf32>
    %swap3A_441 = arith.constant 0 : index
    %swap3A_442 = arith.constant 0 : index
    %swap3A_443 = vector.load %arg10[%swap3A_441, %swap3A_442] : memref<1x128xf32, #tpu.memory_space<vmem>>, vector<1x128xf32>
    tpu.vector_store %arg10[%swap3A_441, %swap3A_442], %add3A_440 {strides = array<i32>} : memref<1x128xf32, #tpu.memory_space<vmem>>, vector<1x128xf32>,
    %swap3A_444 = arith.constant 0 : index
    %swap3A_445 = memref.load %arg9[%swap3A_444] : memref<1xi32, #tpu.memory_space<smem>>
    memref.store %squeeze3A_361, %arg9[%swap3A_444] : memref<1xi32, #tpu.memory_space<smem>>
    %eq3A_446 = arith.constant 0 : i32
    %eq3A_447 = arith.cmpi eq, %arg0, %eq3A_446 : i32
    %convert_element_type3A_448 = arith.extui %eq3A_447 : i1 to i32
    %cond3A = arith.constant 0 : i32
    %cond3A_449 = arith.cmpi ne, %convert_element_type3A_448, %cond3A : i32
    scf.if %cond3A_449 {
      %swap3A_460 = arith.constant 0 : index
      %swap3A_461 = arith.constant 0 : index
      %swap3A_462 = vector.load %arg11[%swap3A_460, %swap3A_461] : memref<1x256xf32, #tpu.memory_space<vmem>>, vector<1x256xf32>
      tpu.vector_store %arg11[%swap3A_460, %swap3A_461], %add3A_430 {strides = array<i32>} : memref<1x256xf32, #tpu.memory_space<vmem>>, vector<1x256xf32>,
      %swap3A_463 = arith.constant 0 : index
      %swap3A_464 = arith.constant 0 : index
      %swap3A_465 = vector.load %arg12[%swap3A_463, %swap3A_464] : memref<1x256xf32, #tpu.memory_space<vmem>>, vector<1x256xf32>
      tpu.vector_store %arg12[%swap3A_463, %swap3A_464], %add3A_435 {strides = array<i32>} : memref<1x256xf32, #tpu.memory_space<vmem>>, vector<1x256xf32>,
    } else {
    }
    %gt3A_450 = arith.constant 0 : i32
    %gt3A_451 = arith.cmpi sgt, %arg0, %gt3A_450 : i32
    %convert_element_type3A_452 = arith.extui %gt3A_451 : i1 to i32
    %cond3A_453 = arith.constant 0 : i32
    %cond3A_454 = arith.cmpi ne, %convert_element_type3A_452, %cond3A_453 : i32
    scf.if %cond3A_454 {
      %get3A_460 = arith.constant 0 : index
      %get3A_461 = arith.constant 0 : index
      %get3A_462 = vector.load %arg11[%get3A_460, %get3A_461] : memref<1x256xf32, #tpu.memory_space<vmem>>, vector<1x256xf32>
      %add3A_463 = arith.addf %get3A_462, %add3A_430 : vector<1x256xf32>
      %swap3A_464 = arith.constant 0 : index
      %swap3A_465 = arith.constant 0 : index
      %swap3A_466 = vector.load %arg11[%swap3A_464, %swap3A_465] : memref<1x256xf32, #tpu.memory_space<vmem>>, vector<1x256xf32>
      tpu.vector_store %arg11[%swap3A_464, %swap3A_465], %add3A_463 {strides = array<i32>} : memref<1x256xf32, #tpu.memory_space<vmem>>, vector<1x256xf32>,
      %get3A_467 = arith.constant 0 : index
      %get3A_468 = arith.constant 0 : index
      %get3A_469 = vector.load %arg12[%get3A_467, %get3A_468] : memref<1x256xf32, #tpu.memory_space<vmem>>, vector<1x256xf32>
      %add3A_470 = arith.addf %get3A_469, %add3A_435 : vector<1x256xf32>
      %swap3A_471 = arith.constant 0 : index
      %swap3A_472 = arith.constant 0 : index
      %swap3A_473 = vector.load %arg12[%swap3A_471, %swap3A_472] : memref<1x256xf32, #tpu.memory_space<vmem>>, vector<1x256xf32>
      tpu.vector_store %arg12[%swap3A_471, %swap3A_472], %add3A_470 {strides = array<i32>} : memref<1x256xf32, #tpu.memory_space<vmem>>, vector<1x256xf32>,
    } else {
    }
    %eq3A_455 = arith.constant 219 : i32
    %eq3A_456 = arith.cmpi eq, %arg0, %eq3A_455 : i32
    %convert_element_type3A_457 = arith.extui %eq3A_456 : i1 to i32
    %cond3A_458 = arith.constant 0 : i32
    %cond3A_459 = arith.cmpi ne, %convert_element_type3A_457, %cond3A_458 : i32
    scf.if %cond3A_459 {
      %get3A_460 = arith.constant 0 : index
      %get3A_461 = arith.constant 0 : index
      %get3A_462 = vector.load %arg11[%get3A_460, %get3A_461] : memref<1x256xf32, #tpu.memory_space<vmem>>, vector<1x256xf32>
      %get3A_463 = arith.constant 0 : index
      %get3A_464 = arith.constant 0 : index
      %get3A_465 = vector.load %arg12[%get3A_463, %get3A_464] : memref<1x256xf32, #tpu.memory_space<vmem>>, vector<1x256xf32>
      %broadcast_in_dim3A_466 = arith.constant 0.000000e+00 : f32
      %broadcast_in_dim3A_467 = vector.broadcast %broadcast_in_dim3A_466 : f32 to vector<6x256xf32>
      %concatenate3A_468 = tpu.concatenate %get3A_462, %get3A_465, %broadcast_in_dim3A_467 in 0 : vector<1x256xf32>, vector<1x256xf32>, vector<6x256xf32> -> vector<8x256xf32>
      %swap3A_469 = arith.constant 0 : index
      %swap3A_470 = arith.constant 0 : index
      %swap3A_471 = vector.load %arg8[%swap3A_469, %swap3A_470] : memref<8x256xf32, #tpu.memory_space<vmem>>, vector<8x256xf32>
      tpu.vector_store %arg8[%swap3A_469, %swap3A_470], %concatenate3A_468 {strides = array<i32>} : memref<8x256xf32, #tpu.memory_space<vmem>>, vector<8x256xf32>,
    } else {
    }
    return
  }
  func.func @transform_0(%arg0: i32) -> (i32, i32) {
    %sub3A = arith.constant 219 : i32
    %sub3A_0 = arith.subi %sub3A, %arg0 : i32
    %c0_i32 = arith.constant 0 : i32
    %c0_i32_1 = arith.constant 0 : i32
    return %sub3A_0, %c0_i32 : i32, i32
  }
  func.func @transform_1(%arg0: i32) -> (i32, i32) {
    %sub3A = arith.constant 219 : i32
    %sub3A_0 = arith.subi %sub3A, %arg0 : i32
    %c0_i32 = arith.constant 0 : i32
    %c0_i32_1 = arith.constant 0 : i32
    return %sub3A_0, %c0_i32 : i32, i32
  }
  func.func @transform_2(%arg0: i32) -> (i32, i32, i32) {
    %sub3A = arith.constant 219 : i32
    %sub3A_0 = arith.subi %sub3A, %arg0 : i32
    %c0_i32 = arith.constant 0 : i32
    %c0_i32_1 = arith.constant 0 : i32
    %c0_i32_2 = arith.constant 0 : i32
    return %sub3A_0, %c0_i32, %c0_i32_1 : i32, i32, i32
  }
  func.func @transform_3(%arg0: i32) -> (i32, i32, i32) {
    %sub3A = arith.constant 219 : i32
    %sub3A_0 = arith.subi %sub3A, %arg0 : i32
    %c0_i32 = arith.constant 0 : i32
    %c0_i32_1 = arith.constant 0 : i32
    %c0_i32_2 = arith.constant 0 : i32
    return %sub3A_0, %c0_i32, %c0_i32_1 : i32, i32, i32
  }
  func.func @transform_4(%arg0: i32) -> (i32, i32) {
    %c0_i32 = arith.constant 0 : i32
    %c0_i32_0 = arith.constant 0 : i32
    %c0_i32_1 = arith.constant 0 : i32
    return %c0_i32, %c0_i32_0 : i32, i32
  }
  func.func @transform_5(%arg0: i32) -> (i32, i32) {
    %c0_i32 = arith.constant 0 : i32
    %c0_i32_0 = arith.constant 0 : i32
    %c0_i32_1 = arith.constant 0 : i32
    return %c0_i32, %c0_i32_0 : i32, i32
  }
  func.func @transform_6(%arg0: i32) -> (i32, i32) {
    %sub3A = arith.constant 219 : i32
    %sub3A_0 = arith.subi %sub3A, %arg0 : i32
    %c0_i32 = arith.constant 0 : i32
    %c0_i32_1 = arith.constant 0 : i32
    return %sub3A_0, %c0_i32 : i32, i32
  }
  func.func @transform_7(%arg0: i32) -> (i32, i32) {
    %c0_i32 = arith.constant 0 : i32
    %c0_i32_0 = arith.constant 0 : i32
    %c0_i32_1 = arith.constant 0 : i32
    return %c0_i32, %c0_i32_0 : i32, i32
  }
}

module attributes {stable_mosaic.version = 14 : i64} {
  func.func @body(%arg0: i32, %arg1: memref<10000x256xbf16, #tpu.memory_space<vmem>>, %arg2: memref<8x256xf32, #tpu.memory_space<vmem>>, %arg3: memref<1x256xf32, #tpu.memory_space<vmem>>, %arg4: memref<1x256xf32, #tpu.memory_space<vmem>>, %arg5: memref<256x128xbf16, #tpu.memory_space<vmem>>, %arg6: memref<1x128xf32, #tpu.memory_space<vmem>>, %arg7: memref<10000x128xf32, #tpu.memory_space<vmem>>) attributes {dimension_semantics = [#tpu.dimension_semantics<arbitrary>], iteration_bounds = array<i64: 44>, scalar_prefetch = 0 : i64, scratch_operands = 0 : i64, tpu.core_type = #tpu.core_type<tc>, window_params = [{transform_indices = @transform_0, window_bounds = array<i64: 10000, 256>}, {pipeline_mode = #tpu.pipeline_mode<synchronous>, transform_indices = @transform_1, window_bounds = array<i64: 8, 256>}, {pipeline_mode = #tpu.pipeline_mode<synchronous>, transform_indices = @transform_2, window_bounds = array<i64: 1, 256>}, {pipeline_mode = #tpu.pipeline_mode<synchronous>, transform_indices = @transform_3, window_bounds = array<i64: 1, 256>}, {pipeline_mode = #tpu.pipeline_mode<synchronous>, transform_indices = @transform_4, window_bounds = array<i64: 256, 128>}, {pipeline_mode = #tpu.pipeline_mode<synchronous>, transform_indices = @transform_5, window_bounds = array<i64: 1, 128>}, {transform_indices = @transform_6, window_bounds = array<i64: 10000, 128>}]} {
    %get3A = arith.constant 0 : index
    %get3A_0 = arith.constant 0 : index
    %get3A_1 = vector.load %arg2[%get3A, %get3A_0] : memref<8x256xf32, #tpu.memory_space<vmem>>, vector<1x256xf32>
    %mul3A = arith.constant 2.27272722E-6 : f32
    %mul3A_2 = vector.broadcast %mul3A : f32 to vector<1x256xf32>
    %mul3A_3 = arith.mulf %get3A_1, %mul3A_2 : vector<1x256xf32>
    %get3A_4 = arith.constant 1 : index
    %get3A_5 = arith.constant 0 : index
    %get3A_6 = vector.load %arg2[%get3A_4, %get3A_5] : memref<8x256xf32, #tpu.memory_space<vmem>>, vector<1x256xf32>
    %mul3A_7 = arith.constant 2.27272722E-6 : f32
    %mul3A_8 = vector.broadcast %mul3A_7 : f32 to vector<1x256xf32>
    %mul3A_9 = arith.mulf %get3A_6, %mul3A_8 : vector<1x256xf32>
    %mul3A_10 = arith.mulf %mul3A_3, %mul3A_3 : vector<1x256xf32>
    %sub3A = arith.subf %mul3A_9, %mul3A_10 : vector<1x256xf32>
    %max3A = arith.constant 0.000000e+00 : f32
    %max3A_11 = vector.broadcast %max3A : f32 to vector<1x256xf32>
    %max3A_12 = arith.maximumf %sub3A, %max3A_11 : vector<1x256xf32>
    %add3A = arith.constant 9.99999974E-6 : f32
    %add3A_13 = vector.broadcast %add3A : f32 to vector<1x256xf32>
    %add3A_14 = arith.addf %max3A_12, %add3A_13 : vector<1x256xf32>
    %rsqrt3A = math.rsqrt %add3A_14 : vector<1x256xf32>
    %get3A_15 = arith.constant 0 : index
    %get3A_16 = arith.constant 0 : index
    %get3A_17 = vector.load %arg3[%get3A_15, %get3A_16] : memref<1x256xf32, #tpu.memory_space<vmem>>, vector<1x256xf32>
    %mul3A_18 = arith.mulf %rsqrt3A, %get3A_17 : vector<1x256xf32>
    %get3A_19 = arith.constant 0 : index
    %get3A_20 = arith.constant 0 : index
    %get3A_21 = vector.load %arg4[%get3A_19, %get3A_20] : memref<1x256xf32, #tpu.memory_space<vmem>>, vector<1x256xf32>
    %mul3A_22 = arith.mulf %mul3A_3, %mul3A_18 : vector<1x256xf32>
    %sub3A_23 = arith.subf %get3A_21, %mul3A_22 : vector<1x256xf32>
    %get3A_24 = arith.constant 0 : index
    %get3A_25 = arith.constant 0 : index
    %get3A_26 = vector.load %arg1[%get3A_24, %get3A_25] : memref<10000x256xbf16, #tpu.memory_space<vmem>>, vector<10000x256xbf16>
    %convert_element_type3A = arith.extf %get3A_26 : vector<10000x256xbf16> to vector<10000x256xf32>
    %mul3A_27 = vector.broadcast %mul3A_18 : vector<1x256xf32> to vector<10000x256xf32>
    %mul3A_28 = arith.mulf %convert_element_type3A, %mul3A_27 : vector<10000x256xf32>
    %add3A_29 = vector.broadcast %sub3A_23 : vector<1x256xf32> to vector<10000x256xf32>
    %add3A_30 = arith.addf %mul3A_28, %add3A_29 : vector<10000x256xf32>
    %max3A_31 = arith.constant 0.000000e+00 : f32
    %max3A_32 = vector.broadcast %max3A_31 : f32 to vector<10000x256xf32>
    %max3A_33 = arith.maximumf %add3A_30, %max3A_32 : vector<10000x256xf32>
    %convert_element_type3A_34 = arith.truncf %max3A_33 : vector<10000x256xf32> to vector<10000x256xbf16>
    %get3A_35 = arith.constant 0 : index
    %get3A_36 = arith.constant 0 : index
    %get3A_37 = vector.load %arg5[%get3A_35, %get3A_36] : memref<256x128xbf16, #tpu.memory_space<vmem>>, vector<256x128xbf16>
    %dot_general3A = arith.constant dense<0.000000e+00> : vector<10000x128xf32>
    %dot_general3A_38 = tpu.matmul %convert_element_type3A_34, %get3A_37, %dot_general3A {dimension_numbers = #tpu.dot_dimension_numbers<[1], [0], [0], [1], [0, 0, 1, 1], [], []>, transpose_lhs_hint = false} : vector<10000x256xbf16>, vector<256x128xbf16>, vector<10000x128xf32> -> vector<10000x128xf32>
    %get3A_39 = arith.constant 0 : index
    %get3A_40 = arith.constant 0 : index
    %get3A_41 = vector.load %arg6[%get3A_39, %get3A_40] : memref<1x128xf32, #tpu.memory_space<vmem>>, vector<1x128xf32>
    %add3A_42 = vector.broadcast %get3A_41 : vector<1x128xf32> to vector<10000x128xf32>
    %add3A_43 = arith.addf %dot_general3A_38, %add3A_42 : vector<10000x128xf32>
    %swap3A = arith.constant 0 : index
    %swap3A_44 = arith.constant 0 : index
    %swap3A_45 = vector.load %arg7[%swap3A, %swap3A_44] : memref<10000x128xf32, #tpu.memory_space<vmem>>, vector<10000x128xf32>
    tpu.vector_store %arg7[%swap3A, %swap3A_44], %add3A_43 {strides = array<i32>} : memref<10000x128xf32, #tpu.memory_space<vmem>>, vector<10000x128xf32>,
    return
  }
  func.func @transform_0(%arg0: i32) -> (i32, i32) {
    %c0_i32 = arith.constant 0 : i32
    %c0_i32_0 = arith.constant 0 : i32
    return %arg0, %c0_i32 : i32, i32
  }
  func.func @transform_1(%arg0: i32) -> (i32, i32) {
    %c0_i32 = arith.constant 0 : i32
    %c0_i32_0 = arith.constant 0 : i32
    %c0_i32_1 = arith.constant 0 : i32
    return %c0_i32, %c0_i32_0 : i32, i32
  }
  func.func @transform_2(%arg0: i32) -> (i32, i32) {
    %c0_i32 = arith.constant 0 : i32
    %c0_i32_0 = arith.constant 0 : i32
    %c0_i32_1 = arith.constant 0 : i32
    return %c0_i32, %c0_i32_0 : i32, i32
  }
  func.func @transform_3(%arg0: i32) -> (i32, i32) {
    %c0_i32 = arith.constant 0 : i32
    %c0_i32_0 = arith.constant 0 : i32
    %c0_i32_1 = arith.constant 0 : i32
    return %c0_i32, %c0_i32_0 : i32, i32
  }
  func.func @transform_4(%arg0: i32) -> (i32, i32) {
    %c0_i32 = arith.constant 0 : i32
    %c0_i32_0 = arith.constant 0 : i32
    %c0_i32_1 = arith.constant 0 : i32
    return %c0_i32, %c0_i32_0 : i32, i32
  }
  func.func @transform_5(%arg0: i32) -> (i32, i32) {
    %c0_i32 = arith.constant 0 : i32
    %c0_i32_0 = arith.constant 0 : i32
    %c0_i32_1 = arith.constant 0 : i32
    return %c0_i32, %c0_i32_0 : i32, i32
  }
  func.func @transform_6(%arg0: i32) -> (i32, i32) {
    %c0_i32 = arith.constant 0 : i32
    %c0_i32_0 = arith.constant 0 : i32
    return %arg0, %c0_i32 : i32, i32
  }
}

module attributes {stable_mosaic.version = 14 : i64} {
  func.func @body(%arg0: i32, %arg1: memref<10000x128xf32, #tpu.memory_space<vmem>>, %arg2: memref<10000x128xf32, #tpu.memory_space<vmem>>, %arg3: memref<256x256xbf16, #tpu.memory_space<vmem>>, %arg4: memref<1x256xf32, #tpu.memory_space<vmem>>, %arg5: memref<10000x256xbf16, #tpu.memory_space<vmem>>, %arg6: memref<8x256xf32, #tpu.memory_space<vmem>>, %arg7: memref<1x256xf32, #tpu.memory_space<vmem>>, %arg8: memref<1x256xf32, #tpu.memory_space<vmem>>) attributes {dimension_semantics = [#tpu.dimension_semantics<arbitrary>], iteration_bounds = array<i64: 32>, scalar_prefetch = 0 : i64, scratch_operands = 2 : i64, tpu.core_type = #tpu.core_type<tc>, window_params = [{transform_indices = @transform_0, window_bounds = array<i64: 10000, 128>}, {transform_indices = @transform_1, window_bounds = array<i64: 10000, 128>}, {pipeline_mode = #tpu.pipeline_mode<synchronous>, transform_indices = @transform_2, window_bounds = array<i64: 256, 256>}, {pipeline_mode = #tpu.pipeline_mode<synchronous>, transform_indices = @transform_3, window_bounds = array<i64: 1, 256>}, {transform_indices = @transform_4, window_bounds = array<i64: 10000, 256>}, {pipeline_mode = #tpu.pipeline_mode<synchronous>, transform_indices = @transform_5, window_bounds = array<i64: 8, 256>}]} {
    %get3A = arith.constant 0 : index
    %get3A_0 = arith.constant 0 : index
    %get3A_1 = vector.load %arg1[%get3A, %get3A_0] : memref<10000x128xf32, #tpu.memory_space<vmem>>, vector<10000x128xf32>
    %get3A_2 = arith.constant 0 : index
    %get3A_3 = arith.constant 0 : index
    %get3A_4 = vector.load %arg2[%get3A_2, %get3A_3] : memref<10000x128xf32, #tpu.memory_space<vmem>>, vector<10000x128xf32>
    %concatenate3A = tpu.concatenate %get3A_1, %get3A_4 in 1 : vector<10000x128xf32>, vector<10000x128xf32> -> vector<10000x256xf32>
    %convert_element_type3A = arith.truncf %concatenate3A : vector<10000x256xf32> to vector<10000x256xbf16>
    %get3A_5 = arith.constant 0 : index
    %get3A_6 = arith.constant 0 : index
    %get3A_7 = vector.load %arg3[%get3A_5, %get3A_6] : memref<256x256xbf16, #tpu.memory_space<vmem>>, vector<256x256xbf16>
    %dot_general3A = arith.constant dense<0.000000e+00> : vector<10000x256xf32>
    %dot_general3A_8 = tpu.matmul %convert_element_type3A, %get3A_7, %dot_general3A {dimension_numbers = #tpu.dot_dimension_numbers<[1], [0], [0], [1], [0, 0, 1, 1], [], []>, transpose_lhs_hint = false} : vector<10000x256xbf16>, vector<256x256xbf16>, vector<10000x256xf32> -> vector<10000x256xf32>
    %get3A_9 = arith.constant 0 : index
    %get3A_10 = arith.constant 0 : index
    %get3A_11 = vector.load %arg4[%get3A_9, %get3A_10] : memref<1x256xf32, #tpu.memory_space<vmem>>, vector<1x256xf32>
    %add3A = vector.broadcast %get3A_11 : vector<1x256xf32> to vector<10000x256xf32>
    %add3A_12 = arith.addf %dot_general3A_8, %add3A : vector<10000x256xf32>
    %convert_element_type3A_13 = arith.truncf %add3A_12 : vector<10000x256xf32> to vector<10000x256xbf16>
    %swap3A = arith.constant 0 : index
    %swap3A_14 = arith.constant 0 : index
    %swap3A_15 = vector.load %arg5[%swap3A, %swap3A_14] : memref<10000x256xbf16, #tpu.memory_space<vmem>>, vector<10000x256xbf16>
    tpu.vector_store %arg5[%swap3A, %swap3A_14], %convert_element_type3A_13 {strides = array<i32>} : memref<10000x256xbf16, #tpu.memory_space<vmem>>, vector<10000x256xbf16>,
    %reduce_sum3A = arith.constant dense<0.000000e+00> : vector<256xf32>
    %reduce_sum3A_16 = vector.multi_reduction <add>, %add3A_12, %reduce_sum3A [0] : vector<10000x256xf32> to vector<256xf32>
    %broadcast_in_dim3A = vector.shape_cast %reduce_sum3A_16 : vector<256xf32> to vector<1x256xf32>
    %mul3A = arith.mulf %add3A_12, %add3A_12 : vector<10000x256xf32>
    %reduce_sum3A_17 = arith.constant dense<0.000000e+00> : vector<256xf32>
    %reduce_sum3A_18 = vector.multi_reduction <add>, %mul3A, %reduce_sum3A_17 [0] : vector<10000x256xf32> to vector<256xf32>
    %broadcast_in_dim3A_19 = vector.shape_cast %reduce_sum3A_18 : vector<256xf32> to vector<1x256xf32>
    %eq3A = arith.constant 0 : i32
    %eq3A_20 = arith.cmpi eq, %arg0, %eq3A : i32
    %convert_element_type3A_21 = arith.extui %eq3A_20 : i1 to i32
    %cond3A = arith.constant 0 : i32
    %cond3A_22 = arith.cmpi ne, %convert_element_type3A_21, %cond3A : i32
    scf.if %cond3A_22 {
      %swap3A_32 = arith.constant 0 : index
      %swap3A_33 = arith.constant 0 : index
      %swap3A_34 = vector.load %arg7[%swap3A_32, %swap3A_33] : memref<1x256xf32, #tpu.memory_space<vmem>>, vector<1x256xf32>
      tpu.vector_store %arg7[%swap3A_32, %swap3A_33], %broadcast_in_dim3A {strides = array<i32>} : memref<1x256xf32, #tpu.memory_space<vmem>>, vector<1x256xf32>,
      %swap3A_35 = arith.constant 0 : index
      %swap3A_36 = arith.constant 0 : index
      %swap3A_37 = vector.load %arg8[%swap3A_35, %swap3A_36] : memref<1x256xf32, #tpu.memory_space<vmem>>, vector<1x256xf32>
      tpu.vector_store %arg8[%swap3A_35, %swap3A_36], %broadcast_in_dim3A_19 {strides = array<i32>} : memref<1x256xf32, #tpu.memory_space<vmem>>, vector<1x256xf32>,
    } else {
    }
    %gt3A = arith.constant 0 : i32
    %gt3A_23 = arith.cmpi sgt, %arg0, %gt3A : i32
    %convert_element_type3A_24 = arith.extui %gt3A_23 : i1 to i32
    %cond3A_25 = arith.constant 0 : i32
    %cond3A_26 = arith.cmpi ne, %convert_element_type3A_24, %cond3A_25 : i32
    scf.if %cond3A_26 {
      %get3A_32 = arith.constant 0 : index
      %get3A_33 = arith.constant 0 : index
      %get3A_34 = vector.load %arg7[%get3A_32, %get3A_33] : memref<1x256xf32, #tpu.memory_space<vmem>>, vector<1x256xf32>
      %add3A_35 = arith.addf %get3A_34, %broadcast_in_dim3A : vector<1x256xf32>
      %swap3A_36 = arith.constant 0 : index
      %swap3A_37 = arith.constant 0 : index
      %swap3A_38 = vector.load %arg7[%swap3A_36, %swap3A_37] : memref<1x256xf32, #tpu.memory_space<vmem>>, vector<1x256xf32>
      tpu.vector_store %arg7[%swap3A_36, %swap3A_37], %add3A_35 {strides = array<i32>} : memref<1x256xf32, #tpu.memory_space<vmem>>, vector<1x256xf32>,
      %get3A_39 = arith.constant 0 : index
      %get3A_40 = arith.constant 0 : index
      %get3A_41 = vector.load %arg8[%get3A_39, %get3A_40] : memref<1x256xf32, #tpu.memory_space<vmem>>, vector<1x256xf32>
      %add3A_42 = arith.addf %get3A_41, %broadcast_in_dim3A_19 : vector<1x256xf32>
      %swap3A_43 = arith.constant 0 : index
      %swap3A_44 = arith.constant 0 : index
      %swap3A_45 = vector.load %arg8[%swap3A_43, %swap3A_44] : memref<1x256xf32, #tpu.memory_space<vmem>>, vector<1x256xf32>
      tpu.vector_store %arg8[%swap3A_43, %swap3A_44], %add3A_42 {strides = array<i32>} : memref<1x256xf32, #tpu.memory_space<vmem>>, vector<1x256xf32>,
    } else {
    }
    %eq3A_27 = arith.constant 31 : i32
    %eq3A_28 = arith.cmpi eq, %arg0, %eq3A_27 : i32
    %convert_element_type3A_29 = arith.extui %eq3A_28 : i1 to i32
    %cond3A_30 = arith.constant 0 : i32
    %cond3A_31 = arith.cmpi ne, %convert_element_type3A_29, %cond3A_30 : i32
    scf.if %cond3A_31 {
      %get3A_32 = arith.constant 0 : index
      %get3A_33 = arith.constant 0 : index
      %get3A_34 = vector.load %arg7[%get3A_32, %get3A_33] : memref<1x256xf32, #tpu.memory_space<vmem>>, vector<1x256xf32>
      %get3A_35 = arith.constant 0 : index
      %get3A_36 = arith.constant 0 : index
      %get3A_37 = vector.load %arg8[%get3A_35, %get3A_36] : memref<1x256xf32, #tpu.memory_space<vmem>>, vector<1x256xf32>
      %broadcast_in_dim3A_38 = arith.constant 0.000000e+00 : f32
      %broadcast_in_dim3A_39 = vector.broadcast %broadcast_in_dim3A_38 : f32 to vector<6x256xf32>
      %concatenate3A_40 = tpu.concatenate %get3A_34, %get3A_37, %broadcast_in_dim3A_39 in 0 : vector<1x256xf32>, vector<1x256xf32>, vector<6x256xf32> -> vector<8x256xf32>
      %swap3A_41 = arith.constant 0 : index
      %swap3A_42 = arith.constant 0 : index
      %swap3A_43 = vector.load %arg6[%swap3A_41, %swap3A_42] : memref<8x256xf32, #tpu.memory_space<vmem>>, vector<8x256xf32>
      tpu.vector_store %arg6[%swap3A_41, %swap3A_42], %concatenate3A_40 {strides = array<i32>} : memref<8x256xf32, #tpu.memory_space<vmem>>, vector<8x256xf32>,
    } else {
    }
    return
  }
  func.func @transform_0(%arg0: i32) -> (i32, i32) {
    %c0_i32 = arith.constant 0 : i32
    %c0_i32_0 = arith.constant 0 : i32
    return %arg0, %c0_i32 : i32, i32
  }
  func.func @transform_1(%arg0: i32) -> (i32, i32) {
    %c0_i32 = arith.constant 0 : i32
    %c0_i32_0 = arith.constant 0 : i32
    return %arg0, %c0_i32 : i32, i32
  }
  func.func @transform_2(%arg0: i32) -> (i32, i32) {
    %c0_i32 = arith.constant 0 : i32
    %c0_i32_0 = arith.constant 0 : i32
    %c0_i32_1 = arith.constant 0 : i32
    return %c0_i32, %c0_i32_0 : i32, i32
  }
  func.func @transform_3(%arg0: i32) -> (i32, i32) {
    %c0_i32 = arith.constant 0 : i32
    %c0_i32_0 = arith.constant 0 : i32
    %c0_i32_1 = arith.constant 0 : i32
    return %c0_i32, %c0_i32_0 : i32, i32
  }
  func.func @transform_4(%arg0: i32) -> (i32, i32) {
    %c0_i32 = arith.constant 0 : i32
    %c0_i32_0 = arith.constant 0 : i32
    return %arg0, %c0_i32 : i32, i32
  }
  func.func @transform_5(%arg0: i32) -> (i32, i32) {
    %c0_i32 = arith.constant 0 : i32
    %c0_i32_0 = arith.constant 0 : i32
    %c0_i32_1 = arith.constant 0 : i32
    return %c0_i32, %c0_i32_0 : i32, i32
  }
}

module attributes {stable_mosaic.version = 14 : i64} {
  func.func @body(%arg0: i32, %arg1: memref<10000x256xbf16, #tpu.memory_space<vmem>>, %arg2: memref<8x256xf32, #tpu.memory_space<vmem>>, %arg3: memref<1x256xf32, #tpu.memory_space<vmem>>, %arg4: memref<1x256xf32, #tpu.memory_space<vmem>>, %arg5: memref<256x128xbf16, #tpu.memory_space<vmem>>, %arg6: memref<1x128xf32, #tpu.memory_space<vmem>>, %arg7: memref<10000x128xf32, #tpu.memory_space<vmem>>) attributes {dimension_semantics = [#tpu.dimension_semantics<arbitrary>], iteration_bounds = array<i64: 32>, scalar_prefetch = 0 : i64, scratch_operands = 0 : i64, tpu.core_type = #tpu.core_type<tc>, window_params = [{transform_indices = @transform_0, window_bounds = array<i64: 10000, 256>}, {pipeline_mode = #tpu.pipeline_mode<synchronous>, transform_indices = @transform_1, window_bounds = array<i64: 8, 256>}, {pipeline_mode = #tpu.pipeline_mode<synchronous>, transform_indices = @transform_2, window_bounds = array<i64: 1, 256>}, {pipeline_mode = #tpu.pipeline_mode<synchronous>, transform_indices = @transform_3, window_bounds = array<i64: 1, 256>}, {pipeline_mode = #tpu.pipeline_mode<synchronous>, transform_indices = @transform_4, window_bounds = array<i64: 256, 128>}, {pipeline_mode = #tpu.pipeline_mode<synchronous>, transform_indices = @transform_5, window_bounds = array<i64: 1, 128>}, {transform_indices = @transform_6, window_bounds = array<i64: 10000, 128>}]} {
    %get3A = arith.constant 0 : index
    %get3A_0 = arith.constant 0 : index
    %get3A_1 = vector.load %arg2[%get3A, %get3A_0] : memref<8x256xf32, #tpu.memory_space<vmem>>, vector<1x256xf32>
    %mul3A = arith.constant 3.125000e-06 : f32
    %mul3A_2 = vector.broadcast %mul3A : f32 to vector<1x256xf32>
    %mul3A_3 = arith.mulf %get3A_1, %mul3A_2 : vector<1x256xf32>
    %get3A_4 = arith.constant 1 : index
    %get3A_5 = arith.constant 0 : index
    %get3A_6 = vector.load %arg2[%get3A_4, %get3A_5] : memref<8x256xf32, #tpu.memory_space<vmem>>, vector<1x256xf32>
    %mul3A_7 = arith.constant 3.125000e-06 : f32
    %mul3A_8 = vector.broadcast %mul3A_7 : f32 to vector<1x256xf32>
    %mul3A_9 = arith.mulf %get3A_6, %mul3A_8 : vector<1x256xf32>
    %mul3A_10 = arith.mulf %mul3A_3, %mul3A_3 : vector<1x256xf32>
    %sub3A = arith.subf %mul3A_9, %mul3A_10 : vector<1x256xf32>
    %max3A = arith.constant 0.000000e+00 : f32
    %max3A_11 = vector.broadcast %max3A : f32 to vector<1x256xf32>
    %max3A_12 = arith.maximumf %sub3A, %max3A_11 : vector<1x256xf32>
    %add3A = arith.constant 9.99999974E-6 : f32
    %add3A_13 = vector.broadcast %add3A : f32 to vector<1x256xf32>
    %add3A_14 = arith.addf %max3A_12, %add3A_13 : vector<1x256xf32>
    %rsqrt3A = math.rsqrt %add3A_14 : vector<1x256xf32>
    %get3A_15 = arith.constant 0 : index
    %get3A_16 = arith.constant 0 : index
    %get3A_17 = vector.load %arg3[%get3A_15, %get3A_16] : memref<1x256xf32, #tpu.memory_space<vmem>>, vector<1x256xf32>
    %mul3A_18 = arith.mulf %rsqrt3A, %get3A_17 : vector<1x256xf32>
    %get3A_19 = arith.constant 0 : index
    %get3A_20 = arith.constant 0 : index
    %get3A_21 = vector.load %arg4[%get3A_19, %get3A_20] : memref<1x256xf32, #tpu.memory_space<vmem>>, vector<1x256xf32>
    %mul3A_22 = arith.mulf %mul3A_3, %mul3A_18 : vector<1x256xf32>
    %sub3A_23 = arith.subf %get3A_21, %mul3A_22 : vector<1x256xf32>
    %get3A_24 = arith.constant 0 : index
    %get3A_25 = arith.constant 0 : index
    %get3A_26 = vector.load %arg1[%get3A_24, %get3A_25] : memref<10000x256xbf16, #tpu.memory_space<vmem>>, vector<10000x256xbf16>
    %convert_element_type3A = arith.extf %get3A_26 : vector<10000x256xbf16> to vector<10000x256xf32>
    %mul3A_27 = vector.broadcast %mul3A_18 : vector<1x256xf32> to vector<10000x256xf32>
    %mul3A_28 = arith.mulf %convert_element_type3A, %mul3A_27 : vector<10000x256xf32>
    %add3A_29 = vector.broadcast %sub3A_23 : vector<1x256xf32> to vector<10000x256xf32>
    %add3A_30 = arith.addf %mul3A_28, %add3A_29 : vector<10000x256xf32>
    %max3A_31 = arith.constant 0.000000e+00 : f32
    %max3A_32 = vector.broadcast %max3A_31 : f32 to vector<10000x256xf32>
    %max3A_33 = arith.maximumf %add3A_30, %max3A_32 : vector<10000x256xf32>
    %convert_element_type3A_34 = arith.truncf %max3A_33 : vector<10000x256xf32> to vector<10000x256xbf16>
    %get3A_35 = arith.constant 0 : index
    %get3A_36 = arith.constant 0 : index
    %get3A_37 = vector.load %arg5[%get3A_35, %get3A_36] : memref<256x128xbf16, #tpu.memory_space<vmem>>, vector<256x128xbf16>
    %dot_general3A = arith.constant dense<0.000000e+00> : vector<10000x128xf32>
    %dot_general3A_38 = tpu.matmul %convert_element_type3A_34, %get3A_37, %dot_general3A {dimension_numbers = #tpu.dot_dimension_numbers<[1], [0], [0], [1], [0, 0, 1, 1], [], []>, transpose_lhs_hint = false} : vector<10000x256xbf16>, vector<256x128xbf16>, vector<10000x128xf32> -> vector<10000x128xf32>
    %get3A_39 = arith.constant 0 : index
    %get3A_40 = arith.constant 0 : index
    %get3A_41 = vector.load %arg6[%get3A_39, %get3A_40] : memref<1x128xf32, #tpu.memory_space<vmem>>, vector<1x128xf32>
    %add3A_42 = vector.broadcast %get3A_41 : vector<1x128xf32> to vector<10000x128xf32>
    %add3A_43 = arith.addf %dot_general3A_38, %add3A_42 : vector<10000x128xf32>
    %swap3A = arith.constant 0 : index
    %swap3A_44 = arith.constant 0 : index
    %swap3A_45 = vector.load %arg7[%swap3A, %swap3A_44] : memref<10000x128xf32, #tpu.memory_space<vmem>>, vector<10000x128xf32>
    tpu.vector_store %arg7[%swap3A, %swap3A_44], %add3A_43 {strides = array<i32>} : memref<10000x128xf32, #tpu.memory_space<vmem>>, vector<10000x128xf32>,
    return
  }
  func.func @transform_0(%arg0: i32) -> (i32, i32) {
    %c0_i32 = arith.constant 0 : i32
    %c0_i32_0 = arith.constant 0 : i32
    return %arg0, %c0_i32 : i32, i32
  }
  func.func @transform_1(%arg0: i32) -> (i32, i32) {
    %c0_i32 = arith.constant 0 : i32
    %c0_i32_0 = arith.constant 0 : i32
    %c0_i32_1 = arith.constant 0 : i32
    return %c0_i32, %c0_i32_0 : i32, i32
  }
  func.func @transform_2(%arg0: i32) -> (i32, i32) {
    %c0_i32 = arith.constant 0 : i32
    %c0_i32_0 = arith.constant 0 : i32
    %c0_i32_1 = arith.constant 0 : i32
    return %c0_i32, %c0_i32_0 : i32, i32
  }
  func.func @transform_3(%arg0: i32) -> (i32, i32) {
    %c0_i32 = arith.constant 0 : i32
    %c0_i32_0 = arith.constant 0 : i32
    %c0_i32_1 = arith.constant 0 : i32
    return %c0_i32, %c0_i32_0 : i32, i32
  }
  func.func @transform_4(%arg0: i32) -> (i32, i32) {
    %c0_i32 = arith.constant 0 : i32
    %c0_i32_0 = arith.constant 0 : i32
    %c0_i32_1 = arith.constant 0 : i32
    return %c0_i32, %c0_i32_0 : i32, i32
  }
  func.func @transform_5(%arg0: i32) -> (i32, i32) {
    %c0_i32 = arith.constant 0 : i32
    %c0_i32_0 = arith.constant 0 : i32
    %c0_i32_1 = arith.constant 0 : i32
    return %c0_i32, %c0_i32_0 : i32, i32
  }
  func.func @transform_6(%arg0: i32) -> (i32, i32) {
    %c0_i32 = arith.constant 0 : i32
    %c0_i32_0 = arith.constant 0 : i32
    return %arg0, %c0_i32 : i32, i32
  }
}

</mosaic_0001>

<sc_bundles>
// kernel: kernel.10.cloned.1.call-start
scs
__scs_entry_jumppad:
0x0: {  	(pc) =	sbr.rel $0x88, $3  }
0x1: {  	(tag) =	ssettag $0x0;
	lr =	simm.s32 $0x1  }
0x2: {  	[smem:$0x3F8C] =	sst lr;
	_ =	strace $0xD0000000  }
0x3: {  	_ = 	snop  }
0x4: {  	_ = 	snop  }
0x5: {  	_ = 	snop  }
0x6: {  	_ = 	snop  }
0x7: {  	_ = 	snop  }
__scs_overlays_trampoline_lowered:
0x8: {  	[smem:$0x3F9B] =	sst s0  }
0x9: {  	[smem:$0x3F9C] =	sst s1  }
0xa: {  	[smem:$0x3F9D] =	sst s2  }
0xb: {  	[smem:$0x3F9E] =	sst s3  }
0xc: {  	[smem:$0x3F9F] =	sst s4  }
0xd: {  	[smem:$0x3FA0] =	sst s5  }
0xe: {  	[smem:$0x3FA1] =	sst s6  }
0xf: {  	[smem:$0x3FA2] =	sst s7  }
0x10: {  	[smem:$0x3FA3] =	sst s8  }
0x11: {  	[smem:$0x3FA4] =	sst s9;
	s0 =	simm.s32 @!p0 $0x0  }
0x12: {  	s1 =	sld [smem:$0x3F8A];
	s0 =	simm.s32 @p0 $0x1  }
0x13: {  	[smem:$0x3FA5] =	sst s0;
	s0 =	simm.s32 @!p1 $0x0  }
0x14: {  	s2 =	sld [smem:$0x3F89];
	s0 =	simm.s32 @p1 $0x1  }
0x15: {  	[smem:$0x3FA6] =	sst s0;
	s0 =	simm.s32 @!p2 $0x0  }
0x16: {  	s3 =	sld [smem:$0x3FDB];
	s0 =	simm.s32 @p2 $0x1  }
0x17: {  	s4 =	simm.s32 $0x1BF5;
	[smem:$0x3FA8] =	sst s0  }
0x18: {  	s0 =	sld [smem:$0x3F8B];
	_ =	swait.ge [sflag:s4], $0x0  }
0x19: {  	s7 =	sld [smem:$0x3F8C]  }
0x1a: {  	s8 =	sadd.s32 $0xFFFFE003, lr  }
0x1b: {  	s9 =	sadd.s32 $0xFFFFFEF7, lr;
	s5 =	simm.s32 $0xFFFFFFFF;
	p2 =	slt.u32 s8, $0xFFFFF086  }
0x1c: {  	p1 =	slt.u32 s9, $0xF7A;
	s5 =	simm.s32 @!p2 $0x0  }
0x1d: {  	s5 =	simm.s32 @p1 $0x1;
	p0 =	seq.s32 s7, s2  }
0x1e: {  	s7 =	smul.u32 @!p0 $0xF7A, s2;
	p2 =	seq.s32 @!p0 s5, $0x0  }
0x1f: {  	s9 =	smul.u32 $0xF7A, s1;
	s8 =	simm.s32 @!p0 $0x1BF5;
	p2 =	por !p2, p0  }
0x20: {  	[sflag:s8] =	ssyncset.s32 @!p0 $0xFFFFF086;
	s6 =	sadd.s32 @!p0 s3, s7;
	s7 =	simm.s32 @!p0 $0x108  }
0x21: {  	s3 =	sadd.s32 s3, s9;
	s6 =	sadd.s32 @!p0 $0x88, s6;
	s7 =	simm.s32 @p2 $0x1082  }
0x22: {  	[simem:s7], [sflag:s8] =	dma.local @!p0 [hbm:s6], $0xF7A  }
0x23: {  	s9 =	sor.u32 $0xD0000000, s2;
	s6 =	simm.s32 $0x108;
	_ =	swait.ge @!p0 [sflag:s8], $0x0  }
0x24: {  	s3 =	sadd.s32 $0x88, s3;
	s6 =	simm.s32 @!p1 $0x1082;
	[sflag:s4] =	ssyncset.s32 $0xFFFFF086  }
0x25: {  	[simem:s6], [sflag:s4] =	dma.local [hbm:s3], $0xF7A  }
0x26: {  	[smem:$0x3F8C] =	sst s1;
	(tag) =	ssettag s2;
	_ =	strace s9  }
0x27: {  	s1 =	sld [smem:$0x3F9C]  }
0x28: {  	s2 =	sld [smem:$0x3F9D]  }
0x29: {  	s4 =	sld [smem:$0x3F9F]  }
0x2a: {  	p0 =	seq.s32 s5, $0x0;
	s5 =	sld [smem:$0x3FA0]  }
0x2b: {  	s6 =	sld [smem:$0x3FA1]  }
0x2c: {  	s7 =	sld [smem:$0x3FA2]  }
0x2d: {  	s3 =	simm.s32 $0x108;
	s8 =	sld [smem:$0x3FA3]  }
0x2e: {  	s3 =	simm.s32 @!p0 $0x1082;
	s9 =	sld [smem:$0x3FA4]  }
0x2f: {  	lr =	sadd.s32 s0, s3;
	s0 =	sld [smem:$0x3F9B]  }
0x30: {  	s3 =	sld [smem:$0x3F9E]  }
0x31: {  	[smem:$0x3FA7] =	sst s10  }
0x32: {  	s10 =	sld [smem:$0x3FA5];
	_ =	sdelay $0x3  }
0x33: {  	p0 =	seq.s32 s10, $0x1;
	s10 =	sld [smem:$0x3FA7];
	_ =	sdelay $0x3  }
0x34: {  	[smem:$0x3FA7] =	sst s10  }
0x35: {  	s10 =	sld [smem:$0x3FA6];
	_ =	sdelay $0x3  }
0x36: {  	p1 =	seq.s32 s10, $0x1;
	s10 =	sld [smem:$0x3FA7];
	_ =	sdelay $0x3  }
0x37: {  	[smem:$0x3FA7] =	sst s10  }
0x38: {  	s10 =	sld [smem:$0x3FA8]  }
0x39: {  	_ = 	snop;
	(pc) =	sbr.ind lr, $3  }
0x3a: {  	_ = 	snop  }
0x3b: {  	_ = 	snop  }
0x3c: {  	p2 =	seq.s32 s10, $0x1;
	s10 =	sld [smem:$0x3FA7]  }
0x3d: {  	_ =	shalt  }
0x3e: {  	_ =	shalt  }
0x3f: {  	_ =	shalt  }
0x40: {  	_ =	shalt  }
0x41: {  	_ =	shalt  }
0x42: {  	_ =	shalt  }
0x43: {  	_ =	shalt  }
0x44: {  	_ =	shalt  }
0x45: {  	_ =	shalt  }
0x46: {  	_ =	shalt  }
0x47: {  	_ =	shalt  }
0x48: {  	_ =	shalt  }
0x49: {  	_ =	shalt  }
0x4a: {  	_ =	shalt  }
0x4b: {  	_ =	shalt  }
0x4c: {  	_ =	shalt  }
0x4d: {  	_ =	shalt  }
0x4e: {  	_ =	shalt  }
0x4f: {  	_ =	shalt  }
0x50: {  	_ =	shalt  }
0x51: {  	_ =	shalt  }
0x52: {  	_ =	shalt  }
0x53: {  	_ =	shalt  }
0x54: {  	_ =	shalt  }
0x55: {  	_ =	shalt  }
0x56: {  	_ =	shalt  }
0x57: {  	_ =	shalt  }
0x58: {  	_ =	shalt  }
0x59: {  	_ =	shalt  }
0x5a: {  	_ =	shalt  }
0x5b: {  	_ =	shalt  }
0x5c: {  	_ =	shalt  }
0x5d: {  	_ =	shalt  }
0x5e: {  	_ =	shalt  }
0x5f: {  	_ =	shalt  }
0x60: {  	_ =	shalt  }
0x61: {  	_ =	shalt  }
0x62: {  	_ =	shalt  }
0x63: {  	_ =	shalt  }
0x64: {  	_ =	shalt  }
0x65: {  	_ =	shalt  }
0x66: {  	_ =	shalt  }
0x67: {  	_ =	shalt  }
0x68: {  	_ =	shalt  }
0x69: {  	_ =	shalt  }
0x6a: {  	_ =	shalt  }
0x6b: {  	_ =	shalt  }
0x6c: {  	_ =	shalt  }
0x6d: {  	_ =	shalt  }
0x6e: {  	_ =	shalt  }
0x6f: {  	_ =	shalt  }
0x70: {  	_ =	shalt  }
0x71: {  	_ =	shalt  }
0x72: {  	_ =	shalt  }
0x73: {  	_ =	shalt  }
0x74: {  	_ =	shalt  }
0x75: {  	_ =	shalt  }
0x76: {  	_ =	shalt  }
0x77: {  	_ =	shalt  }
0x78: {  	_ =	shalt  }
0x79: {  	_ =	shalt  }
0x7a: {  	_ =	shalt  }
0x7b: {  	_ =	shalt  }
0x7c: {  	_ =	shalt  }
0x7d: {  	_ =	shalt  }
0x7e: {  	_ =	shalt  }
0x7f: {  	_ =	shalt  }
0x80: {  	_ =	shalt  }
0x81: {  	_ =	shalt  }
0x82: {  	_ =	shalt  }
0x83: {  	_ =	shalt  }
0x84: {  	_ =	shalt  }
0x85: {  	_ =	shalt  }
0x86: {  	_ =	shalt  }
0x87: {  	_ =	shalt  }
.Lfunc_end0:
.L_simem_size_0:
called_computation_lowered:
.L_overlay_start_0:
0x88: {  	s2 =	sld [smem:$0x3FD9]  }
0x89: {  	s3 =	sld [smem:$0x3FFE];
	_ =	sdelay $0x1  }
0x8a: {  	s1 =	srdreg.scid  }
0x8b: {  	s0 =	sand.u32 $0x1, s1  }
0x8c: {  	s17 =	sshll.u32 s0, $0xA;
	s2 =	sadd.s32 s3, s2  }
0x8d: {  	s2 =	sadd.s32 s2, s17  }
0x8e: {  	[smem:$0x3FB3] =	sst s2  }
0x8f: {  	_ = 	snop  }
0x90: {  	s2 =	sld [smem:$0x3FC9]  }
0x91: {  	s18 =	sld [smem:$0x3FC7];
	(tm) =	ssettm $0x1  }
0x92: {  	s4 =	sld [smem:$0x3FFB];
	_ =	sdelay $0x3  }
0x93: {  	_ =	strace s4  }
0x94: {  	s4 =	sld [smem:$0x3FFC];
	_ =	sdelay $0x3  }
0x95: {  	_ =	strace s4  }
0x96: {  	s4 =	sld [smem:$0x3FFD];
	_ =	sdelay $0x3  }
0x97: {  	_ =	strace s4  }
0x98: {  	_ =	strace $0x8FFFFFFF  }
0x99: {  	s19 =	sld [smem:$0x3FDB];
	_ =	sdelay $0x1  }
0x9a: {  	s5 =	simm.s32 $_scs_section_size  }
0x9b: {  	s6 =	simm.s32 $_size__tile_overlayer_lowered;
	s7 =	simm.s32 $_tile_overlayer_lowered  }
0x9c: {  	s22 =	simm.s32 $0x1BFF;
	s21 =	sshll.u32 s7, $0x1;
	s4 =	sadd.s32 s5, s19  }
0x9d: {  	s8 =	simm.s32 $0x0;
	s20 =	sshll.u32 s6, $0x1;
	s6 =	sadd.s32 s21, s4  }
0x9e: {  	[timem:s8], [sflag:s22] =	dma.local [hbm:s6], s20  }
0x9f: {  	_ =	swait.ge [sflag:s22], s20  }
0xa0: {  	s5 =	ssub.s32 $0x0, s20;
	[sflag:s22] =	ssyncset.done $0x0  }
0xa1: {  	[sflag:s22] =	ssyncadd.s32 s5;
	_ =	sdelay $0x1  }
0xa2: {  	s23 =	simm.s32 $0x1B8B  }
0xa3: {  	_ =	swait.ge [sflag:s23], $0x1  }
0xa4: {  	[sflag:s23] =	ssyncset.done $0x0  }
0xa5: {  	s25 =	simm.s32 $0x1B8E;
	s24 =	sld [smem:$0x3FFE];
	[sflag:s23] =	ssyncadd.s32 $0xFFFFFFFF  }
0xa6: {  	s26 =	simm.s32 $execute0_lowered;
	[smem:$0x3FD2] =	sst s25  }
0xa7: {  	s6 =	sshll.u32 s26, $0x1;
	_ =	strace $0x80000046;
	[dreg:$0x1] =	wrdreg $0xFFFFFFFF  }
0xa8: {  	s28 =	simm.s32 $_size_execute0_lowered;
	s4 =	sadd.s32 s4, s6;
	[dreg:$0x0] =	wrdreg $0x0  }
0xa9: {  	s6 =	sshll.u32 s28, $0x1;
	[dreg:$0x2] =	wrdreg s4  }
0xaa: {  	[dreg:$0x3] =	wrdreg s6  }
0xab: {  	[dreg:$0x4] =	wrdreg $0xC0  }
0xac: {  	_ =	task [dreg:s8], $0x5FFFF  }
0xad: {  	[dreg:$0x1] =	wrdreg $0xFFFFFFFF  }
0xae: {  	[dreg:$0x0] =	wrdreg $0x60  }
0xaf: {  	[dreg:$0x2] =	wrdreg s2  }
0xb0: {  	[dreg:$0x3] =	wrdreg s18  }
0xb1: {  	[dreg:$0x4] =	wrdreg s24  }
0xb2: {  	[dreg:$0x5] =	wrdreg $0x9  }
0xb3: {  	_ =	task.clear_ibuf [dreg:s8], $0x6FFFF;
	_ =	strace $0x90000046  }
0xb4: {  	s29 =	simm.s32 $0x9;
	_ =	strace $0x80000048  }
0xb5: {  	_ =	swait.ge [sflag:s29], $0x1  }
0xb6: {  	[sflag:s29] =	ssyncadd.s32 $0xFFFFFFFF  }
0xb7: {  	_ =	strace $0x90000048  }
0xb8: {  	_ =	sfence  }
0xb9: {  	s30 =	sld [smem:$0x0];
	_ =	sdelay $0x2  }
0xba: {  	s31 =	sshll.u32 s1, $0xD;
	s1 =	sshrl.u32 s1, $0x2  }
0xbb: {  	s3 =	sand.u32 $0x4000, s31;
	s1 =	sadd.s32 s1, s30  }
0xbc: {  	s0 =	sor.u32 s3, s0;
	s1 =	sshll.u32 s1, $0x11  }
0xbd: {  	s0 =	sor.u32 s1, s0  }
0xbe: {  	s0 =	sadd.s32 $0x8F2B, s0  }
0xbf: {  	[sflag:s0] =	ssyncadd.remote.s32 $0x1  }
0xc0: {  	_ =	sfence.sel $0xFFFF  }
0xc1: {  	[dreg:$0x0] =	wrdreg $0xFFFFFFFF;
	(pc) =	sbr.abs _section_cstart, $3  }
0xc2: {  	[dreg:$0x1] =	wrdreg $0xFFFFFFFF  }
0xc3: {  	_ =	task.clear_ibuf [dreg:s8], $0x2FFFF;
	_ =	strace $0x9FFFFFFF  }
0xc4: {  	(tm) =	ssettm $0x7FFFFFFF  }
0xc5: {  	_ =	shalt  }
tec
execute0_lowered:
.L_overlay_start_1:
0x0: {  	(tag) =	ssettag $0x1  }
0x1: {  	s1 =	rddreg [dreg:$0x0]  }
0x2: {  	s2 =	srdreg.scid;
	s7 =	rddreg [dreg:$0x1]  }
0x3: {  	s0 =	stileid.u32;
	s4 =	rddreg [dreg:$0x2]  }
0x4: {  	s3 =	simm.s32 $0x0;
	s14 =	simm.s32 $0x1;
	s15 =	simm.s32 $0x2  }
0x5: {  	s16 =	simm.s32 $0x3;
	s6 =	sand.u32 $0x1, s2;
	s11 =	smul.u32 $0x64, s0  }
0x6: {  	s29 =	sshll.u32 s0, $0x1;
	[smem:$0x7FF] =	sst s3;
	s30 =	smul.u32 $0x3200, s0  }
0x7: {  	s12 =	sadd.s32 $0x3400, s4;
	s2 =	sor.u32 s6, s29;
	s31 =	smul.u32 $0x1900, s6  }
0x8: {  	s8 =	ssub.s32 $0x2, s6;
	s13 =	smul.u32 $0x32, s6;
	s17 =	sor.u32 $0x440, s2  }
0x9: {  	s2 =	rddreg [dreg:$0x3];
	s10 =	sshrl.u32 s8, $0x1;
	s5 =	smul.u32 $0x32, s17  }
0xa: {  	_ =	strace $0x80000047;
	s9 =	smul.u32 $0x1900, s17;
	s8 =	ssub.s32 s8, s10  }
0xb: {  	s10 =	sadd.s32 s30, s12;
	p0 =	sgt.u32 s17, $0x44B;
	s17 =	simm.s32 $0x0  }
0xc: {  	s4 =	smax.u32 s8, $0x1;
	s8 =	sadd.s32 s31, s10;
	s10 =	simm.s32 $0x190  }
0xd: {  	s5 =	sadd.s32 s7, s5;
	s6 =	sadd.s32 s12, s9;
	s7 =	sadd.s32 s11, s7  }
0xe: {  	s8 =	sadd.s32 $0x32000, s8;
	s9 =	simm.s32 $0x4;
	s11 =	simm.s32 $0x400  }
0xf: {  	s12 =	simm.s32 $0x200;
	s7 =	sadd.s32 s13, s7;
	s13 =	simm.s32 $0xCC00  }
.LBB2_1:
0x10: {  	s18 =	sadd.s32 $0x0, s7  }
0x11: {  	[tilespmem:s3], [sflag:$0x4] =	stream.linear.gather [hbm4b:s18+s3], $0x190, $0x38;
	[tilespmem:$0x19400] =	vst v63  }
0x12: {  	_ =	swait.ge [sflag:s9], $0x190  }
0x13: {  	[sflag:s9] =	ssyncset.done $0x0  }
0x14: {  	[sflag:s9] =	ssyncadd.s32 $0xFFFFFE70  }
0x15: {  	[tilespmem:s11], [sflag:$0x1] =	stream.indirect.gather [hbm4b:s1+s10], $0x80, s3, s10, $0xb8;
	[tilespmem:$0x19400] =	vst v63  }
0x16: {  	s18 =	sadd.s32 $0x640, s18  }
0x17: {  	[tilespmem:s12], [sflag:$0x4] =	stream.linear.gather [hbm4b:s18+s3], $0x190, $0x38;
	[tilespmem:$0x19400] =	vst v63  }
0x18: {  	_ =	swait.ge [sflag:s9], $0x190  }
0x19: {  	[sflag:s9] =	ssyncset.done $0x0  }
0x1a: {  	[sflag:s9] =	ssyncadd.s32 $0xFFFFFE70  }
0x1b: {  	[tilespmem:s13], [sflag:$0x2] =	stream.indirect.gather [hbm4b:s1+s10], $0x80, s12, s10, $0xb8;
	[tilespmem:$0x19400] =	vst v63  }
0x1c: {  	_ =	swait.ge [sflag:s14], $0xC800  }
0x1d: {  	[sflag:s14] =	ssyncset.done $0x0  }
0x1e: {  	s31 =	sadd.s32 $0xFFFCE000, s8;
	[sflag:s14] =	ssyncadd.s32 $0xFFFF3800  }
0x1f: {  	[hbm4b:s31+s3] =	stream.linear.scatter [tilespmem:s11], [sflag:$0x4], $0xC800, $0x38;
	[tilespmem:$0x19400] =	vst v63  }
0x20: {  	_ =	swait.ge [sflag:s9], $0xC800  }
0x21: {  	[sflag:s9] =	ssyncset.done $0x0  }
0x22: {  	[sflag:s9] =	ssyncadd.s32 $0xFFFF3800  }
0x23: {  	_ =	swait.ge [sflag:s15], $0xC800  }
0x24: {  	[sflag:s15] =	ssyncset.done $0x0  }
0x25: {  	[sflag:s15] =	ssyncadd.s32 $0xFFFF3800  }
0x26: {  	[hbm4b:s8+s3] =	stream.linear.scatter [tilespmem:s13], [sflag:$0x3], $0xC800, $0x38;
	[tilespmem:$0x19400] =	vst v63  }
0x27: {  	s19 =	simm.s32 $0xC80;
	_ =	swait.ge [sflag:s16], $0xC800  }
0x28: {  	s20 =	simm.s32 $0x1900;
	s18 =	sadd.s32 $0x64000, s8;
	[sflag:s16] =	ssyncset.done $0x0  }
.LBB2_2:
0x29: {  	s21 =	sadd.s32 s19, s7  }
0x2a: {  	[sflag:s16] =	ssyncadd.s32 $0xFFFF3800;
	s19 =	smov.u32 s20;
	s22 =	sadd.s32 $0xC80, s20  }
0x2b: {  	[tilespmem:s3], [sflag:$0x4] =	stream.linear.gather [hbm4b:s21+s3], $0x190, $0x38;
	[tilespmem:$0x19400] =	vst v63  }
0x2c: {  	p1 =	sne.s32 s20, $0xC800;
	_ =	swait.ge [sflag:s9], $0x190  }
0x2d: {  	[sflag:s9] =	ssyncset.done $0x0  }
0x2e: {  	[sflag:s9] =	ssyncadd.s32 $0xFFFFFE70  }
0x2f: {  	[tilespmem:s11], [sflag:$0x1] =	stream.indirect.gather [hbm4b:s1+s10], $0x80, s3, s10, $0xb8;
	[tilespmem:$0x19400] =	vst v63  }
0x30: {  	s20 =	sadd.s32 $0x640, s21  }
0x31: {  	[tilespmem:s12], [sflag:$0x4] =	stream.linear.gather [hbm4b:s20+s3], $0x190, $0x38;
	[tilespmem:$0x19400] =	vst v63  }
0x32: {  	_ =	swait.ge [sflag:s9], $0x190  }
0x33: {  	[sflag:s9] =	ssyncset.done $0x0  }
0x34: {  	[sflag:s9] =	ssyncadd.s32 $0xFFFFFE70  }
0x35: {  	[tilespmem:s13], [sflag:$0x2] =	stream.indirect.gather [hbm4b:s1+s10], $0x80, s12, s10, $0xb8;
	[tilespmem:$0x19400] =	vst v63  }
0x36: {  	_ =	swait.ge [sflag:s14], $0xC800  }
0x37: {  	[sflag:s14] =	ssyncset.done $0x0  }
0x38: {  	s20 =	sadd.s32 $0xFFFCE000, s18;
	[sflag:s14] =	ssyncadd.s32 $0xFFFF3800  }
0x39: {  	[hbm4b:s20+s3] =	stream.linear.scatter [tilespmem:s11], [sflag:$0x4], $0xC800, $0x38;
	[tilespmem:$0x19400] =	vst v63  }
0x3a: {  	_ =	swait.ge [sflag:s9], $0xC800  }
0x3b: {  	[sflag:s9] =	ssyncset.done $0x0  }
0x3c: {  	[sflag:s9] =	ssyncadd.s32 $0xFFFF3800  }
0x3d: {  	_ =	swait.ge [sflag:s15], $0xC800  }
.Ltmp0:
0x3e: {  	[sflag:s15] =	ssyncset.done $0x0;
	(pc) =	sbr.rel @p1 .LBB2_2-.Ltmp0, $4  }
0x3f: {  	[sflag:s15] =	ssyncadd.s32 $0xFFFF3800  }
0x40: {  	[hbm4b:s18+s3] =	stream.linear.scatter [tilespmem:s13], [sflag:$0x3], $0xC800, $0x38;
	[tilespmem:$0x19400] =	vst v63  }
0x41: {  	_ =	swait.ge [sflag:s16], $0xC800  }
0x42: {  	s20 =	smov.u32 s22;
	s18 =	sadd.s32 $0x64000, s18;
	[sflag:s16] =	ssyncset.done $0x0  }
0x43: {  	s19 =	sadd.s32 s19, s7;
	[sflag:s16] =	ssyncadd.s32 $0xFFFF3800  }
0x44: {  	[tilespmem:s3], [sflag:$0x4] =	stream.linear.gather [hbm4b:s19+s3], $0x190, $0x38;
	[tilespmem:$0x19400] =	vst v63  }
0x45: {  	_ =	swait.ge [sflag:s9], $0x190  }
0x46: {  	[sflag:s9] =	ssyncset.done $0x0  }
0x47: {  	[sflag:s9] =	ssyncadd.s32 $0xFFFFFE70  }
0x48: {  	[tilespmem:s11], [sflag:$0x1] =	stream.indirect.gather [hbm4b:s1+s10], $0x80, s3, s10, $0xb8;
	[tilespmem:$0x19400] =	vst v63  }
0x49: {  	s19 =	sadd.s32 $0x640, s19  }
0x4a: {  	[tilespmem:s12], [sflag:$0x4] =	stream.linear.gather [hbm4b:s19+s3], $0x190, $0x38;
	[tilespmem:$0x19400] =	vst v63  }
0x4b: {  	_ =	swait.ge [sflag:s9], $0x190  }
0x4c: {  	[sflag:s9] =	ssyncset.done $0x0  }
0x4d: {  	[sflag:s9] =	ssyncadd.s32 $0xFFFFFE70  }
0x4e: {  	[tilespmem:s13], [sflag:$0x2] =	stream.indirect.gather [hbm4b:s1+s10], $0x80, s12, s10, $0xb8;
	[tilespmem:$0x19400] =	vst v63  }
0x4f: {  	_ =	swait.ge [sflag:s14], $0xC800  }
0x50: {  	[sflag:s14] =	ssyncset.done $0x0  }
0x51: {  	s31 =	sadd.s32 $0xFFFCE000, s18;
	[sflag:s14] =	ssyncadd.s32 $0xFFFF3800  }
0x52: {  	[hbm4b:s31+s3] =	stream.linear.scatter [tilespmem:s11], [sflag:$0x4], $0xC800, $0x38;
	[tilespmem:$0x19400] =	vst v63  }
0x53: {  	_ =	swait.ge [sflag:s9], $0xC800  }
0x54: {  	[sflag:s9] =	ssyncset.done $0x0  }
0x55: {  	[sflag:s9] =	ssyncadd.s32 $0xFFFF3800  }
0x56: {  	_ =	swait.ge [sflag:s15], $0xC800  }
0x57: {  	[sflag:s15] =	ssyncset.done $0x0  }
0x58: {  	[sflag:s15] =	ssyncadd.s32 $0xFFFF3800  }
0x59: {  	[hbm4b:s18+s3] =	stream.linear.scatter [tilespmem:s13], [sflag:$0x3], $0xC800, $0x38;
	[tilespmem:$0x19400] =	vst v63  }
0x5a: {  	_ =	swait.ge [sflag:s16], $0xC800  }
0x5b: {  	[sflag:s16] =	ssyncset.done $0x0  }
0x5c: {  	s19 =	simm.s32 @!p0 $0x4;
	s18 =	simm.s32 @!p0 $0x0;
	[sflag:s16] =	ssyncadd.s32 $0xFFFF3800  }
0x5d: {  	[tilespmem:s18], [sflag:$0x4] =	stream.linear.gather @!p0 [hbm4b:s5+s18], $0x190, $0x38;
	[tilespmem:$0x19400] =	vst v63  }
0x5e: {  	_ =	swait.ge @!p0 [sflag:s19], $0x190  }
0x5f: {  	[sflag:s19] =	ssyncset.done @!p0 $0x0  }
0x60: {  	s20 =	simm.s32 @!p0 $0x190;
	s21 =	simm.s32 @!p0 $0x400;
	[sflag:s19] =	ssyncadd.s32 @!p0 $0xFFFFFE70  }
0x61: {  	[tilespmem:s21], [sflag:$0x1] =	stream.indirect.gather @!p0 [hbm4b:s1+s20], $0x80, s18, s20, $0xb8;
	[tilespmem:$0x19400] =	vst v63  }
0x62: {  	s20 =	simm.s32 @!p0 $0x1  }
0x63: {  	s17 =	sadd.s32 $0x1, s17;
	_ =	swait.ge @!p0 [sflag:s20], $0xC800  }
0x64: {  	p1 =	sne.s32 s17, s4;
	[sflag:s20] =	ssyncset.done @!p0 $0x0  }
.Ltmp1:
0x65: {  	[sflag:s20] =	ssyncadd.s32 @!p0 $0xFFFF3800;
	(pc) =	sbr.rel @p1 .LBB2_1-.Ltmp1, $4  }
0x66: {  	[hbm4b:s6+s18] =	stream.linear.scatter @!p0 [tilespmem:s21], [sflag:$0x4], $0xC800, $0x38;
	[tilespmem:$0x19400] =	vst v63  }
0x67: {  	_ =	swait.ge @!p0 [sflag:s19], $0xC800  }
0x68: {  	[sflag:s19] =	ssyncset.done @!p0 $0x0  }
0x69: {  	[sflag:s19] =	ssyncadd.s32 @!p0 $0xFFFF3800  }
0x6a: {  	_ =	sfence.sel $0x180000  }
0x6b: {  	[bflag:$0x0] =	sbarrier.arrive $0xFFFF  }
0x6c: {  	p0 =	sne.s32 s0, $0x0;
	_ =	strace $0x90000047  }
0x6d: {  	s0 =	sadd.s32 @!p0 $0x100000, s2;
	[bflag:$0x2] =	sbarrier.arrive $0xFFFF  }
0x6e: {  	[sflag:s0] =	ssyncadd.tile.s32 @!p0 $0x1;
	_ =	shalt  }
.Lfunc_end2:
_tile_overlayer_lowered:
.L_overlay_start_2:
0x6f: {  	(tag) =	ssettag $0x2  }
0x70: {  	s0 =	rddreg [dreg:$0x0];
	s2 =	stileid.u32  }
0x71: {  	s1 =	rddreg [dreg:$0x1];
	p0 =	sne.s32 s2, $0x0  }
0x72: {  	s3 =	rddreg [dreg:$0x2];
	[bflag:$0x3] =	sbarrier.arrive $0xFFFF;
	s2 =	simm.s32 @!p0 $0x1C03  }
0x73: {  	[timem:s3], [sflag:s2] =	dma.local @!p0 [hbm:s0], s1  }
0x74: {  	s0 =	simm.s32 @!p0 $0x3  }
0x75: {  	_ =	swait.ge @!p0 [sflag:s0], s1  }
0x76: {  	s1 =	ssub.s32 @!p0 $0x0, s1;
	[sflag:s0] =	ssyncset.done @!p0 $0x0  }
0x77: {  	[sflag:s0] =	ssyncadd.s32 @!p0 s1  }
0x78: {  	[bflag:$0x3] =	sbarrier.arrive $0xFFFF  }
0x79: {  	_ =	shalt  }

// kernel: kernel.13.cloned.1.call-start
scs
__scs_entry_jumppad:
0x0: {  	(pc) =	sbr.rel $0x88, $3  }
0x1: {  	(tag) =	ssettag $0x0;
	lr =	simm.s32 $0x1  }
0x2: {  	[smem:$0x3F8C] =	sst lr;
	_ =	strace $0xD0000000  }
0x3: {  	_ = 	snop  }
0x4: {  	_ = 	snop  }
0x5: {  	_ = 	snop  }
0x6: {  	_ = 	snop  }
0x7: {  	_ = 	snop  }
__scs_overlays_trampoline_lowered:
0x8: {  	[smem:$0x3F9B] =	sst s0  }
0x9: {  	[smem:$0x3F9C] =	sst s1  }
0xa: {  	[smem:$0x3F9D] =	sst s2  }
0xb: {  	[smem:$0x3F9E] =	sst s3  }
0xc: {  	[smem:$0x3F9F] =	sst s4  }
0xd: {  	[smem:$0x3FA0] =	sst s5  }
0xe: {  	[smem:$0x3FA1] =	sst s6  }
0xf: {  	[smem:$0x3FA2] =	sst s7  }
0x10: {  	[smem:$0x3FA3] =	sst s8  }
0x11: {  	[smem:$0x3FA4] =	sst s9;
	s0 =	simm.s32 @!p0 $0x0  }
0x12: {  	s1 =	sld [smem:$0x3F8A];
	s0 =	simm.s32 @p0 $0x1  }
0x13: {  	[smem:$0x3FA5] =	sst s0;
	s0 =	simm.s32 @!p1 $0x0  }
0x14: {  	s2 =	sld [smem:$0x3F89];
	s0 =	simm.s32 @p1 $0x1  }
0x15: {  	[smem:$0x3FA6] =	sst s0;
	s0 =	simm.s32 @!p2 $0x0  }
0x16: {  	s3 =	sld [smem:$0x3FDB];
	s0 =	simm.s32 @p2 $0x1  }
0x17: {  	s4 =	simm.s32 $0x1BF5;
	[smem:$0x3FA8] =	sst s0  }
0x18: {  	s0 =	sld [smem:$0x3F8B];
	_ =	swait.ge [sflag:s4], $0x0  }
0x19: {  	s7 =	sld [smem:$0x3F8C]  }
0x1a: {  	s8 =	sadd.s32 $0xFFFFE003, lr  }
0x1b: {  	s9 =	sadd.s32 $0xFFFFFEF7, lr;
	s5 =	simm.s32 $0xFFFFFFFF;
	p2 =	slt.u32 s8, $0xFFFFF086  }
0x1c: {  	p1 =	slt.u32 s9, $0xF7A;
	s5 =	simm.s32 @!p2 $0x0  }
0x1d: {  	s5 =	simm.s32 @p1 $0x1;
	p0 =	seq.s32 s7, s2  }
0x1e: {  	s7 =	smul.u32 @!p0 $0xF7A, s2;
	p2 =	seq.s32 @!p0 s5, $0x0  }
0x1f: {  	s9 =	smul.u32 $0xF7A, s1;
	s8 =	simm.s32 @!p0 $0x1BF5;
	p2 =	por !p2, p0  }
0x20: {  	[sflag:s8] =	ssyncset.s32 @!p0 $0xFFFFF086;
	s6 =	sadd.s32 @!p0 s3, s7;
	s7 =	simm.s32 @!p0 $0x108  }
0x21: {  	s3 =	sadd.s32 s3, s9;
	s6 =	sadd.s32 @!p0 $0x88, s6;
	s7 =	simm.s32 @p2 $0x1082  }
0x22: {  	[simem:s7], [sflag:s8] =	dma.local @!p0 [hbm:s6], $0xF7A  }
0x23: {  	s9 =	sor.u32 $0xD0000000, s2;
	s6 =	simm.s32 $0x108;
	_ =	swait.ge @!p0 [sflag:s8], $0x0  }
0x24: {  	s3 =	sadd.s32 $0x88, s3;
	s6 =	simm.s32 @!p1 $0x1082;
	[sflag:s4] =	ssyncset.s32 $0xFFFFF086  }
0x25: {  	[simem:s6], [sflag:s4] =	dma.local [hbm:s3], $0xF7A  }
0x26: {  	[smem:$0x3F8C] =	sst s1;
	(tag) =	ssettag s2;
	_ =	strace s9  }
0x27: {  	s1 =	sld [smem:$0x3F9C]  }
0x28: {  	s2 =	sld [smem:$0x3F9D]  }
0x29: {  	s4 =	sld [smem:$0x3F9F]  }
0x2a: {  	p0 =	seq.s32 s5, $0x0;
	s5 =	sld [smem:$0x3FA0]  }
0x2b: {  	s6 =	sld [smem:$0x3FA1]  }
0x2c: {  	s7 =	sld [smem:$0x3FA2]  }
0x2d: {  	s3 =	simm.s32 $0x108;
	s8 =	sld [smem:$0x3FA3]  }
0x2e: {  	s3 =	simm.s32 @!p0 $0x1082;
	s9 =	sld [smem:$0x3FA4]  }
0x2f: {  	lr =	sadd.s32 s0, s3;
	s0 =	sld [smem:$0x3F9B]  }
0x30: {  	s3 =	sld [smem:$0x3F9E]  }
0x31: {  	[smem:$0x3FA7] =	sst s10  }
0x32: {  	s10 =	sld [smem:$0x3FA5];
	_ =	sdelay $0x3  }
0x33: {  	p0 =	seq.s32 s10, $0x1;
	s10 =	sld [smem:$0x3FA7];
	_ =	sdelay $0x3  }
0x34: {  	[smem:$0x3FA7] =	sst s10  }
0x35: {  	s10 =	sld [smem:$0x3FA6];
	_ =	sdelay $0x3  }
0x36: {  	p1 =	seq.s32 s10, $0x1;
	s10 =	sld [smem:$0x3FA7];
	_ =	sdelay $0x3  }
0x37: {  	[smem:$0x3FA7] =	sst s10  }
0x38: {  	s10 =	sld [smem:$0x3FA8]  }
0x39: {  	_ = 	snop;
	(pc) =	sbr.ind lr, $3  }
0x3a: {  	_ = 	snop  }
0x3b: {  	_ = 	snop  }
0x3c: {  	p2 =	seq.s32 s10, $0x1;
	s10 =	sld [smem:$0x3FA7]  }
0x3d: {  	_ =	shalt  }
0x3e: {  	_ =	shalt  }
0x3f: {  	_ =	shalt  }
0x40: {  	_ =	shalt  }
0x41: {  	_ =	shalt  }
0x42: {  	_ =	shalt  }
0x43: {  	_ =	shalt  }
0x44: {  	_ =	shalt  }
0x45: {  	_ =	shalt  }
0x46: {  	_ =	shalt  }
0x47: {  	_ =	shalt  }
0x48: {  	_ =	shalt  }
0x49: {  	_ =	shalt  }
0x4a: {  	_ =	shalt  }
0x4b: {  	_ =	shalt  }
0x4c: {  	_ =	shalt  }
0x4d: {  	_ =	shalt  }
0x4e: {  	_ =	shalt  }
0x4f: {  	_ =	shalt  }
0x50: {  	_ =	shalt  }
0x51: {  	_ =	shalt  }
0x52: {  	_ =	shalt  }
0x53: {  	_ =	shalt  }
0x54: {  	_ =	shalt  }
0x55: {  	_ =	shalt  }
0x56: {  	_ =	shalt  }
0x57: {  	_ =	shalt  }
0x58: {  	_ =	shalt  }
0x59: {  	_ =	shalt  }
0x5a: {  	_ =	shalt  }
0x5b: {  	_ =	shalt  }
0x5c: {  	_ =	shalt  }
0x5d: {  	_ =	shalt  }
0x5e: {  	_ =	shalt  }
0x5f: {  	_ =	shalt  }
0x60: {  	_ =	shalt  }
0x61: {  	_ =	shalt  }
0x62: {  	_ =	shalt  }
0x63: {  	_ =	shalt  }
0x64: {  	_ =	shalt  }
0x65: {  	_ =	shalt  }
0x66: {  	_ =	shalt  }
0x67: {  	_ =	shalt  }
0x68: {  	_ =	shalt  }
0x69: {  	_ =	shalt  }
0x6a: {  	_ =	shalt  }
0x6b: {  	_ =	shalt  }
0x6c: {  	_ =	shalt  }
0x6d: {  	_ =	shalt  }
0x6e: {  	_ =	shalt  }
0x6f: {  	_ =	shalt  }
0x70: {  	_ =	shalt  }
0x71: {  	_ =	shalt  }
0x72: {  	_ =	shalt  }
0x73: {  	_ =	shalt  }
0x74: {  	_ =	shalt  }
0x75: {  	_ =	shalt  }
0x76: {  	_ =	shalt  }
0x77: {  	_ =	shalt  }
0x78: {  	_ =	shalt  }
0x79: {  	_ =	shalt  }
0x7a: {  	_ =	shalt  }
0x7b: {  	_ =	shalt  }
0x7c: {  	_ =	shalt  }
0x7d: {  	_ =	shalt  }
0x7e: {  	_ =	shalt  }
0x7f: {  	_ =	shalt  }
0x80: {  	_ =	shalt  }
0x81: {  	_ =	shalt  }
0x82: {  	_ =	shalt  }
0x83: {  	_ =	shalt  }
0x84: {  	_ =	shalt  }
0x85: {  	_ =	shalt  }
0x86: {  	_ =	shalt  }
0x87: {  	_ =	shalt  }
.Lfunc_end0:
.L_simem_size_0:
called_computation.1_lowered:
.L_overlay_start_0:
0x88: {  	s2 =	sld [smem:$0x3FD9]  }
0x89: {  	s3 =	sld [smem:$0x3FFE];
	_ =	sdelay $0x1  }
0x8a: {  	s1 =	srdreg.scid  }
0x8b: {  	s0 =	sand.u32 $0x1, s1  }
0x8c: {  	s15 =	sshll.u32 s0, $0xA;
	s2 =	sadd.s32 s3, s2  }
0x8d: {  	s2 =	sadd.s32 s2, s15  }
0x8e: {  	[smem:$0x3FB3] =	sst s2  }
0x8f: {  	_ = 	snop  }
0x90: {  	s2 =	sld [smem:$0x3FD0];
	_ =	sdelay $0x2  }
0x91: {  	s4 =	simm.s32 $0xA;
	s5 =	simm.s32 $0x10;
	s16 =	sld [smem:$0x3FC5]  }
0x92: {  	[smem:s5], [sflag:s4] =	dma.local [hbm:s2], $0x1  }
0x93: {  	_ =	swait.eq [sflag:s4], $0x1  }
0x94: {  	[sflag:s4] =	ssyncset.done $0x0  }
0x95: {  	s17 =	sld [smem:$0x10];
	[sflag:s4] =	ssyncadd.s32 $0xFFFFFFFF  }
0x96: {  	s18 =	sld [smem:$0x11];
	(tm) =	ssettm $0x1  }
0x97: {  	s19 =	sld [smem:$0x3FFB];
	_ =	sdelay $0x3  }
0x98: {  	_ =	strace s19  }
0x99: {  	s5 =	sld [smem:$0x3FFC];
	_ =	sdelay $0x3  }
0x9a: {  	_ =	strace s5  }
0x9b: {  	s5 =	sld [smem:$0x3FFD];
	_ =	sdelay $0x3  }
0x9c: {  	_ =	strace s5  }
0x9d: {  	_ =	strace $0x8FFFFFFF  }
0x9e: {  	s20 =	sld [smem:$0x3FDB];
	_ =	sdelay $0x1  }
0x9f: {  	s6 =	simm.s32 $_scs_section_size  }
0xa0: {  	s7 =	simm.s32 $_size__tile_overlayer_lowered;
	s8 =	simm.s32 $_tile_overlayer_lowered  }
0xa1: {  	s23 =	simm.s32 $0x1BFF;
	s22 =	sshll.u32 s8, $0x1;
	s5 =	sadd.s32 s6, s20  }
0xa2: {  	s9 =	simm.s32 $0x0;
	s21 =	sshll.u32 s7, $0x1;
	s7 =	sadd.s32 s22, s5  }
0xa3: {  	[timem:s9], [sflag:s23] =	dma.local [hbm:s7], s21  }
0xa4: {  	_ =	swait.ge [sflag:s23], s21  }
0xa5: {  	s6 =	ssub.s32 $0x0, s21;
	[sflag:s23] =	ssyncset.done $0x0  }
0xa6: {  	[sflag:s23] =	ssyncadd.s32 s6;
	_ =	sdelay $0x1  }
0xa7: {  	s24 =	simm.s32 $0x1B8B  }
0xa8: {  	_ =	swait.ge [sflag:s24], $0x1  }
0xa9: {  	[sflag:s24] =	ssyncset.done $0x0  }
0xaa: {  	s25 =	simm.s32 $0x1B8E;
	[sflag:s24] =	ssyncadd.s32 $0xFFFFFFFF  }
0xab: {  	s26 =	simm.s32 $execute0_lowered;
	[smem:$0x3FD2] =	sst s25  }
0xac: {  	s6 =	sshll.u32 s26, $0x1;
	_ =	strace $0x80000049;
	[dreg:$0x1] =	wrdreg $0xFFFFFFFF  }
0xad: {  	s28 =	simm.s32 $_size_execute0_lowered;
	s5 =	sadd.s32 s5, s6;
	[dreg:$0x0] =	wrdreg $0x0  }
0xae: {  	s6 =	sshll.u32 s28, $0x1;
	[dreg:$0x2] =	wrdreg s5  }
0xaf: {  	[dreg:$0x3] =	wrdreg s6  }
0xb0: {  	[dreg:$0x4] =	wrdreg $0xC0  }
0xb1: {  	_ =	task [dreg:s9], $0x5FFFF  }
0xb2: {  	[dreg:$0x1] =	wrdreg $0xFFFFFFFF  }
0xb3: {  	[dreg:$0x0] =	wrdreg $0x60  }
0xb4: {  	[dreg:$0x2] =	wrdreg s18  }
0xb5: {  	[dreg:$0x3] =	wrdreg s16  }
0xb6: {  	[dreg:$0x4] =	wrdreg s17  }
0xb7: {  	[dreg:$0x5] =	wrdreg $0x9  }
0xb8: {  	_ =	task.clear_ibuf [dreg:s9], $0x6FFFF;
	_ =	strace $0x90000049  }
0xb9: {  	s29 =	simm.s32 $0x9;
	_ =	strace $0x8000004B  }
0xba: {  	_ =	swait.ge [sflag:s29], $0x1  }
0xbb: {  	[sflag:s29] =	ssyncadd.s32 $0xFFFFFFFF  }
0xbc: {  	_ =	strace $0x9000004B  }
0xbd: {  	_ =	sfence  }
0xbe: {  	s30 =	sld [smem:$0x0];
	_ =	sdelay $0x2  }
0xbf: {  	s31 =	sshll.u32 s1, $0xD;
	s1 =	sshrl.u32 s1, $0x2  }
0xc0: {  	s3 =	sand.u32 $0x4000, s31;
	s1 =	sadd.s32 s1, s30  }
0xc1: {  	s0 =	sor.u32 s3, s0;
	s1 =	sshll.u32 s1, $0x11  }
0xc2: {  	s0 =	sor.u32 s1, s0  }
0xc3: {  	s0 =	sadd.s32 $0x8F2B, s0  }
0xc4: {  	[sflag:s0] =	ssyncadd.remote.s32 $0x1  }
0xc5: {  	_ =	sfence.sel $0xFFFF  }
0xc6: {  	[dreg:$0x0] =	wrdreg $0xFFFFFFFF;
	(pc) =	sbr.abs _section_cstart, $3  }
0xc7: {  	[dreg:$0x1] =	wrdreg $0xFFFFFFFF  }
0xc8: {  	_ =	task.clear_ibuf [dreg:s9], $0x2FFFF;
	_ =	strace $0x9FFFFFFF  }
0xc9: {  	(tm) =	ssettm $0x7FFFFFFF  }
tec
execute0_lowered:
.L_overlay_start_1:
0x0: {  	(tag) =	ssettag $0x1  }
0x1: {  	s2 =	rddreg [dreg:$0x0]  }
0x2: {  	s1 =	srdreg.scid;
	s6 =	rddreg [dreg:$0x1]  }
0x3: {  	s0 =	stileid.u32;
	s7 =	rddreg [dreg:$0x2];
	s14 =	simm.s32 $0x1  }
0x4: {  	s15 =	simm.s32 $0x2;
	s16 =	simm.s32 $0x3;
	s10 =	smul.u32 $0x3200, s0  }
0x5: {  	s5 =	sand.u32 $0x1, s1;
	s28 =	sshll.u32 s0, $0x1;
	s12 =	smul.u32 $0x64, s0  }
0x6: {  	s17 =	simm.s32 $0x0;
	s1 =	sor.u32 s5, s28;
	s29 =	smul.u32 $0x32, s5  }
0x7: {  	s4 =	ssub.s32 $0x2, s5;
	s13 =	smul.u32 $0x1900, s5;
	s3 =	sor.u32 $0x300, s1  }
0x8: {  	s1 =	rddreg [dreg:$0x3];
	s11 =	sshrl.u32 s4, $0x1;
	s12 =	sadd.s32 s12, s6  }
0x9: {  	s30 =	sadd.s32 s10, s7;
	s10 =	simm.s32 $0x190;
	s8 =	smul.u32 $0x32, s3  }
0xa: {  	s9 =	smul.u32 $0x1900, s3;
	s3 =	simm.s32 $0x0;
	s4 =	ssub.s32 s4, s11  }
0xb: {  	s31 =	sadd.s32 s29, s12;
	s11 =	simm.s32 $0x400;
	[smem:$0x7FF] =	sst s3  }
0xc: {  	s12 =	simm.s32 $0x200;
	s4 =	smax.u32 s4, $0x1;
	_ =	strace $0x8000004A  }
0xd: {  	s5 =	sadd.s32 s6, s8;
	s6 =	sadd.s32 s7, s9;
	s7 =	sadd.s32 s13, s30  }
0xe: {  	s8 =	sadd.s32 $0x640, s31;
	s9 =	simm.s32 $0x4;
	s13 =	simm.s32 $0xCC00  }
.LBB2_1:
0xf: {  	s18 =	sadd.s32 $0xFFFFF9C0, s8  }
0x10: {  	[tilespmem:s3], [sflag:$0x4] =	stream.linear.gather [hbm4b:s18+s3], $0x190, $0x38;
	[tilespmem:$0x19400] =	vst v63  }
0x11: {  	_ =	swait.ge [sflag:s9], $0x190  }
0x12: {  	[sflag:s9] =	ssyncset.done $0x0  }
0x13: {  	[sflag:s9] =	ssyncadd.s32 $0xFFFFFE70  }
0x14: {  	[tilespmem:s11], [sflag:$0x1] =	stream.indirect.gather [hbm4b:s2+s10], $0x80, s3, s10, $0xb8;
	[tilespmem:$0x19400] =	vst v63  }
0x15: {  	_ = 	snop  }
0x16: {  	[tilespmem:s12], [sflag:$0x4] =	stream.linear.gather [hbm4b:s8+s3], $0x190, $0x38;
	[tilespmem:$0x19400] =	vst v63  }
0x17: {  	_ =	swait.ge [sflag:s9], $0x190  }
0x18: {  	[sflag:s9] =	ssyncset.done $0x0  }
0x19: {  	[sflag:s9] =	ssyncadd.s32 $0xFFFFFE70  }
0x1a: {  	[tilespmem:s13], [sflag:$0x2] =	stream.indirect.gather [hbm4b:s2+s10], $0x80, s12, s10, $0xb8;
	[tilespmem:$0x19400] =	vst v63  }
0x1b: {  	_ =	swait.ge [sflag:s14], $0xC800  }
0x1c: {  	[sflag:s14] =	ssyncset.done $0x0  }
0x1d: {  	s31 =	sadd.s32 $0x0, s7;
	[sflag:s14] =	ssyncadd.s32 $0xFFFF3800  }
0x1e: {  	[hbm4b:s31+s3] =	stream.linear.scatter [tilespmem:s11], [sflag:$0x4], $0xC800, $0x38;
	[tilespmem:$0x19400] =	vst v63  }
0x1f: {  	_ =	swait.ge [sflag:s9], $0xC800  }
0x20: {  	[sflag:s9] =	ssyncset.done $0x0  }
0x21: {  	[sflag:s9] =	ssyncadd.s32 $0xFFFF3800  }
0x22: {  	_ =	swait.ge [sflag:s15], $0xC800  }
0x23: {  	[sflag:s15] =	ssyncset.done $0x0  }
0x24: {  	s18 =	sadd.s32 $0x32000, s31;
	[sflag:s15] =	ssyncadd.s32 $0xFFFF3800  }
0x25: {  	[hbm4b:s18+s3] =	stream.linear.scatter [tilespmem:s13], [sflag:$0x3], $0xC800, $0x38;
	[tilespmem:$0x19400] =	vst v63  }
0x26: {  	s20 =	simm.s32 $0xC8000;
	_ =	swait.ge [sflag:s16], $0xC800  }
0x27: {  	s19 =	sadd.s32 $0xC80, s8;
	s18 =	simm.s32 $0x64000;
	[sflag:s16] =	ssyncset.done $0x0  }
.LBB2_2:
0x28: {  	p0 =	sne.s32 s20, $0x44C000;
	s21 =	sadd.s32 $0xFFFFF9C0, s19;
	[sflag:s16] =	ssyncadd.s32 $0xFFFF3800  }
0x29: {  	[tilespmem:s3], [sflag:$0x4] =	stream.linear.gather [hbm4b:s21+s3], $0x190, $0x38;
	[tilespmem:$0x19400] =	vst v63  }
0x2a: {  	s21 =	smov.u32 s20;
	s20 =	sadd.s32 $0x64000, s20;
	_ =	swait.ge [sflag:s9], $0x190  }
0x2b: {  	[sflag:s9] =	ssyncset.done $0x0  }
0x2c: {  	[sflag:s9] =	ssyncadd.s32 $0xFFFFFE70  }
0x2d: {  	[tilespmem:s11], [sflag:$0x1] =	stream.indirect.gather [hbm4b:s2+s10], $0x80, s3, s10, $0xb8;
	[tilespmem:$0x19400] =	vst v63  }
0x2e: {  	_ = 	snop  }
0x2f: {  	[tilespmem:s12], [sflag:$0x4] =	stream.linear.gather [hbm4b:s19+s3], $0x190, $0x38;
	[tilespmem:$0x19400] =	vst v63  }
0x30: {  	_ =	swait.ge [sflag:s9], $0x190  }
0x31: {  	[sflag:s9] =	ssyncset.done $0x0  }
0x32: {  	[sflag:s9] =	ssyncadd.s32 $0xFFFFFE70  }
0x33: {  	[tilespmem:s13], [sflag:$0x2] =	stream.indirect.gather [hbm4b:s2+s10], $0x80, s12, s10, $0xb8;
	[tilespmem:$0x19400] =	vst v63  }
0x34: {  	_ =	swait.ge [sflag:s14], $0xC800  }
0x35: {  	[sflag:s14] =	ssyncset.done $0x0  }
0x36: {  	s22 =	sadd.s32 s18, s7;
	s18 =	smov.u32 s21;
	[sflag:s14] =	ssyncadd.s32 $0xFFFF3800  }
0x37: {  	[hbm4b:s22+s3] =	stream.linear.scatter [tilespmem:s11], [sflag:$0x4], $0xC800, $0x38;
	[tilespmem:$0x19400] =	vst v63  }
0x38: {  	_ =	swait.ge [sflag:s9], $0xC800  }
0x39: {  	[sflag:s9] =	ssyncset.done $0x0  }
0x3a: {  	[sflag:s9] =	ssyncadd.s32 $0xFFFF3800  }
0x3b: {  	_ =	swait.ge [sflag:s15], $0xC800  }
.Ltmp0:
0x3c: {  	[sflag:s15] =	ssyncset.done $0x0;
	(pc) =	sbr.rel @p0 .LBB2_2-.Ltmp0, $4  }
0x3d: {  	s21 =	sadd.s32 $0x32000, s22;
	[sflag:s15] =	ssyncadd.s32 $0xFFFF3800  }
0x3e: {  	[hbm4b:s21+s3] =	stream.linear.scatter [tilespmem:s13], [sflag:$0x3], $0xC800, $0x38;
	[tilespmem:$0x19400] =	vst v63  }
0x3f: {  	_ =	swait.ge [sflag:s16], $0xC800  }
0x40: {  	s19 =	sadd.s32 $0xC80, s19;
	[sflag:s16] =	ssyncset.done $0x0  }
0x41: {  	s20 =	sadd.s32 $0xFFFFF9C0, s19;
	[sflag:s16] =	ssyncadd.s32 $0xFFFF3800  }
0x42: {  	[tilespmem:s3], [sflag:$0x4] =	stream.linear.gather [hbm4b:s20+s3], $0x190, $0x38;
	[tilespmem:$0x19400] =	vst v63  }
0x43: {  	_ =	swait.ge [sflag:s9], $0x190  }
0x44: {  	[sflag:s9] =	ssyncset.done $0x0  }
0x45: {  	[sflag:s9] =	ssyncadd.s32 $0xFFFFFE70  }
0x46: {  	[tilespmem:s11], [sflag:$0x1] =	stream.indirect.gather [hbm4b:s2+s10], $0x80, s3, s10, $0xb8;
	[tilespmem:$0x19400] =	vst v63  }
0x47: {  	_ = 	snop  }
0x48: {  	[tilespmem:s12], [sflag:$0x4] =	stream.linear.gather [hbm4b:s19+s3], $0x190, $0x38;
	[tilespmem:$0x19400] =	vst v63  }
0x49: {  	_ =	swait.ge [sflag:s9], $0x190  }
0x4a: {  	[sflag:s9] =	ssyncset.done $0x0  }
0x4b: {  	[sflag:s9] =	ssyncadd.s32 $0xFFFFFE70  }
0x4c: {  	[tilespmem:s13], [sflag:$0x2] =	stream.indirect.gather [hbm4b:s2+s10], $0x80, s12, s10, $0xb8;
	[tilespmem:$0x19400] =	vst v63  }
0x4d: {  	_ =	swait.ge [sflag:s14], $0xC800  }
0x4e: {  	[sflag:s14] =	ssyncset.done $0x0  }
0x4f: {  	s18 =	sadd.s32 s18, s7;
	[sflag:s14] =	ssyncadd.s32 $0xFFFF3800  }
0x50: {  	[hbm4b:s18+s3] =	stream.linear.scatter [tilespmem:s11], [sflag:$0x4], $0xC800, $0x38;
	[tilespmem:$0x19400] =	vst v63  }
0x51: {  	_ =	swait.ge [sflag:s9], $0xC800  }
0x52: {  	[sflag:s9] =	ssyncset.done $0x0  }
0x53: {  	[sflag:s9] =	ssyncadd.s32 $0xFFFF3800  }
0x54: {  	_ =	swait.ge [sflag:s15], $0xC800  }
0x55: {  	[sflag:s15] =	ssyncset.done $0x0  }
0x56: {  	s18 =	sadd.s32 $0x32000, s18;
	[sflag:s15] =	ssyncadd.s32 $0xFFFF3800  }
0x57: {  	[hbm4b:s18+s3] =	stream.linear.scatter [tilespmem:s13], [sflag:$0x3], $0xC800, $0x38;
	[tilespmem:$0x19400] =	vst v63  }
0x58: {  	_ =	swait.ge [sflag:s16], $0xC800  }
0x59: {  	[sflag:s16] =	ssyncset.done $0x0  }
0x5a: {  	[sflag:s16] =	ssyncadd.s32 $0xFFFF3800  }
0x5b: {  	[tilespmem:s3], [sflag:$0x4] =	stream.linear.gather [hbm4b:s5+s3], $0x190, $0x38;
	[tilespmem:$0x19400] =	vst v63  }
0x5c: {  	_ =	swait.ge [sflag:s9], $0x190  }
0x5d: {  	[sflag:s9] =	ssyncset.done $0x0  }
0x5e: {  	[sflag:s9] =	ssyncadd.s32 $0xFFFFFE70  }
0x5f: {  	[tilespmem:s11], [sflag:$0x1] =	stream.indirect.gather [hbm4b:s2+s10], $0x80, s3, s10, $0xb8;
	[tilespmem:$0x19400] =	vst v63  }
0x60: {  	s17 =	sadd.s32 $0x1, s17;
	_ =	swait.ge [sflag:s14], $0xC800  }
0x61: {  	p0 =	sne.s32 s17, s4;
	[sflag:s14] =	ssyncset.done $0x0  }
.Ltmp1:
0x62: {  	[sflag:s14] =	ssyncadd.s32 $0xFFFF3800;
	(pc) =	sbr.rel @p0 .LBB2_1-.Ltmp1, $4  }
0x63: {  	[hbm4b:s6+s3] =	stream.linear.scatter [tilespmem:s11], [sflag:$0x4], $0xC800, $0x38;
	[tilespmem:$0x19400] =	vst v63  }
0x64: {  	_ =	swait.ge [sflag:s9], $0xC800  }
0x65: {  	[sflag:s9] =	ssyncset.done $0x0  }
0x66: {  	[sflag:s9] =	ssyncadd.s32 $0xFFFF3800  }
0x67: {  	_ =	sfence.sel $0x180000  }
0x68: {  	[bflag:$0x0] =	sbarrier.arrive $0xFFFF  }
0x69: {  	p0 =	sne.s32 s0, $0x0;
	_ =	strace $0x9000004A  }
0x6a: {  	s0 =	sadd.s32 @!p0 $0x100000, s1;
	[bflag:$0x2] =	sbarrier.arrive $0xFFFF  }
0x6b: {  	[sflag:s0] =	ssyncadd.tile.s32 @!p0 $0x1;
	_ =	shalt  }
.Lfunc_end2:
_tile_overlayer_lowered:
.L_overlay_start_2:
0x6c: {  	(tag) =	ssettag $0x2  }
0x6d: {  	s0 =	rddreg [dreg:$0x0];
	s2 =	stileid.u32  }
0x6e: {  	s1 =	rddreg [dreg:$0x1];
	p0 =	sne.s32 s2, $0x0  }
0x6f: {  	s3 =	rddreg [dreg:$0x2];
	[bflag:$0x3] =	sbarrier.arrive $0xFFFF;
	s2 =	simm.s32 @!p0 $0x1C03  }
0x70: {  	[timem:s3], [sflag:s2] =	dma.local @!p0 [hbm:s0], s1  }
0x71: {  	s0 =	simm.s32 @!p0 $0x3  }
0x72: {  	_ =	swait.ge @!p0 [sflag:s0], s1  }
0x73: {  	s1 =	ssub.s32 @!p0 $0x0, s1;
	[sflag:s0] =	ssyncset.done @!p0 $0x0  }
0x74: {  	[sflag:s0] =	ssyncadd.s32 @!p0 s1  }
0x75: {  	[bflag:$0x3] =	sbarrier.arrive $0xFFFF  }
0x76: {  	_ =	shalt  }

</sc_bundles>
